<compile_context>
chip_gen: v7x
topology: tpu7x:2x2x1
jax: 0.10.2.dev20260603
libtpu: 0.0.44.dev20260713+nightly
codegen_flags: <defaults>
</compile_context>

<pallas_src>
import functools

import jax
import jax.numpy as jnp
from jax import lax
from jax.experimental import pallas as pl
from jax.experimental.pallas import tpu as pltpu
from jax.experimental.pallas import tpu_sc as plsc

N = 10000
E = 320000
D = 128
DE = 16

NC, NS = 2, 16
NW = NC * NS
EW = E // NW
CH = 80
NIT = EW // CH



def _proj_body(x_ref, wst_ref, wdt_ref, ps_ref, pd_ref):
    xb = x_ref[...]
    ps_ref[...] = jnp.dot(xb, wst_ref[...], preferred_element_type=jnp.float32)
    pd_ref[...] = jnp.dot(xb, wdt_ref[...], preferred_element_type=jnp.float32)


_node_proj = pl.pallas_call(
    _proj_body,
    grid=(10,),
    in_specs=[
        pl.BlockSpec((N // 10, D), lambda i: (i, 0)),
        pl.BlockSpec((D, D), lambda i: (0, 0)),
        pl.BlockSpec((D, D), lambda i: (0, 0)),
    ],
    out_specs=[
        pl.BlockSpec((N // 10, D), lambda i: (i, 0)),
        pl.BlockSpec((N // 10, D), lambda i: (i, 0)),
    ],
    out_shape=[
        jax.ShapeDtypeStruct((N, D), jnp.float32),
        jax.ShapeDtypeStruct((N, D), jnp.float32),
    ],
)



@functools.partial(
    pl.kernel,
    out_type=jax.ShapeDtypeStruct((E, D), jnp.float32),
    mesh=plsc.VectorSubcoreMesh(core_axis_name="c", subcore_axis_name="s"),
    scratch_types=[
        pltpu.VMEM((EW,), jnp.int32),
        pltpu.VMEM((EW,), jnp.int32),
        [pltpu.VMEM((CH, D), jnp.float32)] * 4,
        [pltpu.VMEM((CH, D), jnp.float32)] * 4,
        [pltpu.SemaphoreType.DMA] * 4,
        [pltpu.SemaphoreType.DMA] * 4,
    ],
)
def _sc_gather_add(ps_hbm, pd_hbm, src_hbm, dst_hbm, out_hbm,
                   idxs_v, idxd_v, ps_v, pd_v, gsem, osem):
    wid = lax.axis_index("s") * NC + lax.axis_index("c")
    wbase = wid * EW

    pltpu.sync_copy(src_hbm.at[pl.ds(wbase, EW)], idxs_v)
    pltpu.sync_copy(dst_hbm.at[pl.ds(wbase, EW)], idxd_v)

    def _issue(it, p, drain_out):
        off = it * CH
        if drain_out:
            pltpu.make_async_copy(ps_v[p], out_hbm.at[pl.ds(wbase, CH)],
                                  osem[p]).wait()
        pltpu.async_copy(ps_hbm.at[idxs_v.at[pl.ds(off, CH)]], ps_v[p], gsem[p])
        pltpu.async_copy(pd_hbm.at[idxd_v.at[pl.ds(off, CH)]], pd_v[p], gsem[p])

    def _finish(it, p):
        pltpu.make_async_copy(ps_hbm.at[pl.ds(0, CH)], ps_v[p], gsem[p]).wait()
        pltpu.make_async_copy(pd_hbm.at[pl.ds(0, CH)], pd_v[p], gsem[p]).wait()

        @plsc.parallel_loop(0, CH, unroll=2)
        def _row(r):
            for j in range(D // 16):
                sl = pl.ds(j * 16, 16)
                plsc.addupdate(ps_v[p].at[r, sl], pd_v[p][r, sl])

        pltpu.async_copy(ps_v[p], out_hbm.at[pl.ds(wbase + it * CH, CH)],
                         osem[p])

    for k in range(4):
        _issue(k, k, False)

    @pl.loop(0, NIT - 8, step=4)
    def _quad(it):
        for k in range(4):
            _finish(it + k, k)
            _issue(it + 4 + k, k, True)

    for k in range(4):
        _finish(NIT - 5 + k, k)
    _issue(NIT - 1, 0, True)
    _finish(NIT - 1, 0)
    for k in range(4):
        pltpu.make_async_copy(ps_v[k], out_hbm.at[pl.ds(wbase, CH)],
                              osem[k]).wait()



_EB = 3200


def _final_body(g_ref, e_ref, wet_ref, b_ref, o_ref):
    o_ref[...] = (
        g_ref[...]
        + jnp.dot(e_ref[...], wet_ref[...], preferred_element_type=jnp.float32)
        + b_ref[...]
    )


_final = pl.pallas_call(
    _final_body,
    grid=(E // _EB,),
    in_specs=[
        pl.BlockSpec((_EB, D), lambda i: (i, 0)),
        pl.BlockSpec((_EB, DE), lambda i: (i, 0)),
        pl.BlockSpec((DE, D), lambda i: (0, 0)),
        pl.BlockSpec((1, D), lambda i: (0, 0)),
    ],
    out_specs=pl.BlockSpec((_EB, D), lambda i: (i, 0)),
    out_shape=jax.ShapeDtypeStruct((E, D), jnp.float32),
)


def kernel(x, e, edge_index, W, b):
    wet = W[:, :DE].T
    wst = W[:, DE:DE + D].T
    wdt = W[:, DE + D:].T
    src = edge_index[0]
    dst = edge_index[1]
    ps, pd = _node_proj(x, wst, wdt)
    g = _sc_gather_add(ps, pd, src, dst)
    return _final(g, e, wet, b.reshape(1, D))

# --- scband reference (transcript-rebuilt; emitter-appended) ---
"""Pipeline reference for scband-edge-block-31885837206099 (READ-ONLY COPY).

The authoritative reference and input builder live on the scoring server;
editing this copy changes nothing except your own understanding.
"""

import jax, jax.numpy as jnp
import numpy as np

N = 10000
E = 320000
D_FEAT = 128
D_EDGE = 16
IN_FEATS = D_EDGE + 2 * D_FEAT  # 272
OUT_FEATS = 128


def setup_inputs(seed: int = 0) -> dict:
    key = jax.random.key(seed)
    k1, k2, k3, k4, k5 = jax.random.split(key, 5)
    x = jax.random.normal(k1, (N, D_FEAT), dtype=jnp.float32)
    e = jax.random.normal(k2, (E, D_EDGE), dtype=jnp.float32)
    edge_index = jax.random.randint(k3, (2, E), 0, N, dtype=jnp.int32)
    # nn.Linear(in_feats, out_feats) parameters, torch default init
    bound = 1.0 / np.sqrt(IN_FEATS)
    W = jax.random.uniform(k4, (OUT_FEATS, IN_FEATS), dtype=jnp.float32, minval=-bound, maxval=bound)
    b = jax.random.uniform(k5, (OUT_FEATS,), dtype=jnp.float32, minval=-bound, maxval=bound)
    return {"x": x, "e": e, "edge_index": edge_index, "W": W, "b": b}


def reference(x, e, edge_index, W, b):
    # EdgeBlock.forward with use_edges=True, use_sender_nodes=True,
    # use_receiver_nodes=True, use_globals=False, recurrent=False.
    # DGL apply_edges(send_func): per-edge concat of [edge_feat, src_feat, dst_feat]
    # followed by nn.Linear.
    src = edge_index[0]
    dst = edge_index[1]
    x_src = jnp.take(x, src, axis=0)   # gather sender node features per edge
    x_dst = jnp.take(x, dst, axis=0)   # gather receiver node features per edge
    collected = jnp.concatenate([e, x_src, x_dst], axis=-1)  # [E, 272]
    h_e = collected @ W.T + b          # nn.Linear
    return h_e

if __name__ == "__main__":
    import jax
    _d = setup_inputs()
    print(jax.jit(kernel)(*tuple(_d.values())))

</pallas_src>

<mosaic_0001>
#map = affine_map<(d0, d1) -> (0, 0)>
#map1 = affine_map<(d0, d1) -> (0)>
module attributes {stable_mosaic.version = 14 : i64} {
  func.func @_sc_gather_add(%arg0: i32, %arg1: i32, %arg2: memref<10000x128xf32, #tpu.memory_space<hbm>>, %arg3: memref<10000x128xf32, #tpu.memory_space<hbm>>, %arg4: memref<320000xi32, #tpu.memory_space<hbm>>, %arg5: memref<320000xi32, #tpu.memory_space<hbm>>, %arg6: memref<320000x128xf32, #tpu.memory_space<hbm>>, %arg7: memref<10000xi32, #tpu.memory_space<vmem>>, %arg8: memref<10000xi32, #tpu.memory_space<vmem>>, %arg9: memref<80x128xf32, #tpu.memory_space<vmem>>, %arg10: memref<80x128xf32, #tpu.memory_space<vmem>>, %arg11: memref<80x128xf32, #tpu.memory_space<vmem>>, %arg12: memref<80x128xf32, #tpu.memory_space<vmem>>, %arg13: memref<80x128xf32, #tpu.memory_space<vmem>>, %arg14: memref<80x128xf32, #tpu.memory_space<vmem>>, %arg15: memref<80x128xf32, #tpu.memory_space<vmem>>, %arg16: memref<80x128xf32, #tpu.memory_space<vmem>>, %arg17: memref<!tpu.dma_semaphore, #tpu.memory_space<semaphore_mem>>, %arg18: memref<!tpu.dma_semaphore, #tpu.memory_space<semaphore_mem>>, %arg19: memref<!tpu.dma_semaphore, #tpu.memory_space<semaphore_mem>>, %arg20: memref<!tpu.dma_semaphore, #tpu.memory_space<semaphore_mem>>, %arg21: memref<!tpu.dma_semaphore, #tpu.memory_space<semaphore_mem>>, %arg22: memref<!tpu.dma_semaphore, #tpu.memory_space<semaphore_mem>>, %arg23: memref<!tpu.dma_semaphore, #tpu.memory_space<semaphore_mem>>, %arg24: memref<!tpu.dma_semaphore, #tpu.memory_space<semaphore_mem>>) attributes {dimension_semantics = [#tpu.dimension_semantics<core_parallel>, #tpu.dimension_semantics<subcore_parallel>], iteration_bounds = array<i64: 2, 16>, scalar_prefetch = 0 : i64, scratch_operands = 18 : i64, tpu.core_type = #tpu.core_type<sc_vector_subcore>, window_params = [{transform_indices = #map}, {transform_indices = #map}, {transform_indices = #map1}, {transform_indices = #map1}, {transform_indices = #map}]} {
    %mul3A = arith.constant 2 : i32
    %mul3A_0 = arith.muli %arg1, %mul3A : i32
    %add3A = arith.addi %mul3A_0, %arg0 : i32
    %mul3A_1 = arith.constant 10000 : i32
    %mul3A_2 = arith.muli %add3A, %mul3A_1 : i32
    "tpu.region"() ({
      %run_scoped3A = tpu.sem_alloc : memref<!tpu.dma_semaphore, #tpu.memory_space<semaphore_mem>>
      %dma_start3A_179 = tpu.memref_slice %arg4[%mul3A_2] : memref<320000xi32, #tpu.memory_space<hbm>> -> memref<10000xi32, #tpu.memory_space<hbm>>
      %dma_start3A_180 = tpu.memref_slice %arg4[%mul3A_2] : memref<320000xi32, #tpu.memory_space<hbm>> -> memref<10000xi32, #tpu.memory_space<hbm>>
      tpu.enqueue_dma source(%dma_start3A_180 : memref<10000xi32, #tpu.memory_space<hbm>>) target(%arg7 : memref<10000xi32, #tpu.memory_space<vmem>>) target_semaphore(%run_scoped3A : memref<!tpu.dma_semaphore, #tpu.memory_space<semaphore_mem>>)
      %dma_wait3A_181 = tpu.memref_slice %arg4[%mul3A_2] : memref<320000xi32, #tpu.memory_space<hbm>> -> memref<10000xi32, #tpu.memory_space<hbm>>
      %dma_wait3A_182 = tpu.memref_slice %arg4[%mul3A_2] : memref<320000xi32, #tpu.memory_space<hbm>> -> memref<10000xi32, #tpu.memory_space<hbm>>
      tpu.wait_dma2 semaphore(%run_scoped3A : memref<!tpu.dma_semaphore, #tpu.memory_space<semaphore_mem>>) src(%dma_wait3A_182 : memref<10000xi32, #tpu.memory_space<hbm>>) dst(%arg7 : memref<10000xi32, #tpu.memory_space<vmem>>)
      tpu.yield
    }) : () -> ()
    "tpu.region"() ({
      %run_scoped3A = tpu.sem_alloc : memref<!tpu.dma_semaphore, #tpu.memory_space<semaphore_mem>>
      %dma_start3A_179 = tpu.memref_slice %arg5[%mul3A_2] : memref<320000xi32, #tpu.memory_space<hbm>> -> memref<10000xi32, #tpu.memory_space<hbm>>
      %dma_start3A_180 = tpu.memref_slice %arg5[%mul3A_2] : memref<320000xi32, #tpu.memory_space<hbm>> -> memref<10000xi32, #tpu.memory_space<hbm>>
      tpu.enqueue_dma source(%dma_start3A_180 : memref<10000xi32, #tpu.memory_space<hbm>>) target(%arg8 : memref<10000xi32, #tpu.memory_space<vmem>>) target_semaphore(%run_scoped3A : memref<!tpu.dma_semaphore, #tpu.memory_space<semaphore_mem>>)
      %dma_wait3A_181 = tpu.memref_slice %arg5[%mul3A_2] : memref<320000xi32, #tpu.memory_space<hbm>> -> memref<10000xi32, #tpu.memory_space<hbm>>
      %dma_wait3A_182 = tpu.memref_slice %arg5[%mul3A_2] : memref<320000xi32, #tpu.memory_space<hbm>> -> memref<10000xi32, #tpu.memory_space<hbm>>
      tpu.wait_dma2 semaphore(%run_scoped3A : memref<!tpu.dma_semaphore, #tpu.memory_space<semaphore_mem>>) src(%dma_wait3A_182 : memref<10000xi32, #tpu.memory_space<hbm>>) dst(%arg8 : memref<10000xi32, #tpu.memory_space<vmem>>)
      tpu.yield
    }) : () -> ()
    %dma_start3A = arith.constant 0 : i32
    %dma_start3A_3 = tpu.memref_slice %arg7[%dma_start3A] : memref<10000xi32, #tpu.memory_space<vmem>> -> memref<80xi32, #tpu.memory_space<vmem>>
    %dma_start3A_4 = arith.constant 0 : i32
    %dma_start3A_5 = arith.constant 0 : i32
    %dma_start3A_6 = tpu.memref_slice %arg2[%dma_start3A_4, %dma_start3A_5] : memref<10000x128xf32, #tpu.memory_space<hbm>> -> memref<10000x128xf32, #tpu.memory_space<hbm>>
    tpu.enqueue_indirect_dma source(%dma_start3A_6 : memref<10000x128xf32, #tpu.memory_space<hbm>>) target(%arg9 : memref<80x128xf32, #tpu.memory_space<vmem>>) offsets(%dma_start3A_3 : memref<80xi32, #tpu.memory_space<vmem>>) semaphore(%arg17 : memref<!tpu.dma_semaphore, #tpu.memory_space<semaphore_mem>>)
    %dma_start3A_7 = arith.constant 0 : i32
    %dma_start3A_8 = tpu.memref_slice %arg8[%dma_start3A_7] : memref<10000xi32, #tpu.memory_space<vmem>> -> memref<80xi32, #tpu.memory_space<vmem>>
    %dma_start3A_9 = arith.constant 0 : i32
    %dma_start3A_10 = arith.constant 0 : i32
    %dma_start3A_11 = tpu.memref_slice %arg3[%dma_start3A_9, %dma_start3A_10] : memref<10000x128xf32, #tpu.memory_space<hbm>> -> memref<10000x128xf32, #tpu.memory_space<hbm>>
    tpu.enqueue_indirect_dma source(%dma_start3A_11 : memref<10000x128xf32, #tpu.memory_space<hbm>>) target(%arg13 : memref<80x128xf32, #tpu.memory_space<vmem>>) offsets(%dma_start3A_8 : memref<80xi32, #tpu.memory_space<vmem>>) semaphore(%arg17 : memref<!tpu.dma_semaphore, #tpu.memory_space<semaphore_mem>>)
    %dma_start3A_12 = arith.constant 80 : i32
    %dma_start3A_13 = tpu.memref_slice %arg7[%dma_start3A_12] : memref<10000xi32, #tpu.memory_space<vmem>> -> memref<80xi32, #tpu.memory_space<vmem>>
    %dma_start3A_14 = arith.constant 0 : i32
    %dma_start3A_15 = arith.constant 0 : i32
    %dma_start3A_16 = tpu.memref_slice %arg2[%dma_start3A_14, %dma_start3A_15] : memref<10000x128xf32, #tpu.memory_space<hbm>> -> memref<10000x128xf32, #tpu.memory_space<hbm>>
    tpu.enqueue_indirect_dma source(%dma_start3A_16 : memref<10000x128xf32, #tpu.memory_space<hbm>>) target(%arg10 : memref<80x128xf32, #tpu.memory_space<vmem>>) offsets(%dma_start3A_13 : memref<80xi32, #tpu.memory_space<vmem>>) semaphore(%arg18 : memref<!tpu.dma_semaphore, #tpu.memory_space<semaphore_mem>>)
    %dma_start3A_17 = arith.constant 80 : i32
    %dma_start3A_18 = tpu.memref_slice %arg8[%dma_start3A_17] : memref<10000xi32, #tpu.memory_space<vmem>> -> memref<80xi32, #tpu.memory_space<vmem>>
    %dma_start3A_19 = arith.constant 0 : i32
    %dma_start3A_20 = arith.constant 0 : i32
    %dma_start3A_21 = tpu.memref_slice %arg3[%dma_start3A_19, %dma_start3A_20] : memref<10000x128xf32, #tpu.memory_space<hbm>> -> memref<10000x128xf32, #tpu.memory_space<hbm>>
    tpu.enqueue_indirect_dma source(%dma_start3A_21 : memref<10000x128xf32, #tpu.memory_space<hbm>>) target(%arg14 : memref<80x128xf32, #tpu.memory_space<vmem>>) offsets(%dma_start3A_18 : memref<80xi32, #tpu.memory_space<vmem>>) semaphore(%arg18 : memref<!tpu.dma_semaphore, #tpu.memory_space<semaphore_mem>>)
    %dma_start3A_22 = arith.constant 160 : i32
    %dma_start3A_23 = tpu.memref_slice %arg7[%dma_start3A_22] : memref<10000xi32, #tpu.memory_space<vmem>> -> memref<80xi32, #tpu.memory_space<vmem>>
    %dma_start3A_24 = arith.constant 0 : i32
    %dma_start3A_25 = arith.constant 0 : i32
    %dma_start3A_26 = tpu.memref_slice %arg2[%dma_start3A_24, %dma_start3A_25] : memref<10000x128xf32, #tpu.memory_space<hbm>> -> memref<10000x128xf32, #tpu.memory_space<hbm>>
    tpu.enqueue_indirect_dma source(%dma_start3A_26 : memref<10000x128xf32, #tpu.memory_space<hbm>>) target(%arg11 : memref<80x128xf32, #tpu.memory_space<vmem>>) offsets(%dma_start3A_23 : memref<80xi32, #tpu.memory_space<vmem>>) semaphore(%arg19 : memref<!tpu.dma_semaphore, #tpu.memory_space<semaphore_mem>>)
    %dma_start3A_27 = arith.constant 160 : i32
    %dma_start3A_28 = tpu.memref_slice %arg8[%dma_start3A_27] : memref<10000xi32, #tpu.memory_space<vmem>> -> memref<80xi32, #tpu.memory_space<vmem>>
    %dma_start3A_29 = arith.constant 0 : i32
    %dma_start3A_30 = arith.constant 0 : i32
    %dma_start3A_31 = tpu.memref_slice %arg3[%dma_start3A_29, %dma_start3A_30] : memref<10000x128xf32, #tpu.memory_space<hbm>> -> memref<10000x128xf32, #tpu.memory_space<hbm>>
    tpu.enqueue_indirect_dma source(%dma_start3A_31 : memref<10000x128xf32, #tpu.memory_space<hbm>>) target(%arg15 : memref<80x128xf32, #tpu.memory_space<vmem>>) offsets(%dma_start3A_28 : memref<80xi32, #tpu.memory_space<vmem>>) semaphore(%arg19 : memref<!tpu.dma_semaphore, #tpu.memory_space<semaphore_mem>>)
    %dma_start3A_32 = arith.constant 240 : i32
    %dma_start3A_33 = tpu.memref_slice %arg7[%dma_start3A_32] : memref<10000xi32, #tpu.memory_space<vmem>> -> memref<80xi32, #tpu.memory_space<vmem>>
    %dma_start3A_34 = arith.constant 0 : i32
    %dma_start3A_35 = arith.constant 0 : i32
    %dma_start3A_36 = tpu.memref_slice %arg2[%dma_start3A_34, %dma_start3A_35] : memref<10000x128xf32, #tpu.memory_space<hbm>> -> memref<10000x128xf32, #tpu.memory_space<hbm>>
    tpu.enqueue_indirect_dma source(%dma_start3A_36 : memref<10000x128xf32, #tpu.memory_space<hbm>>) target(%arg12 : memref<80x128xf32, #tpu.memory_space<vmem>>) offsets(%dma_start3A_33 : memref<80xi32, #tpu.memory_space<vmem>>) semaphore(%arg20 : memref<!tpu.dma_semaphore, #tpu.memory_space<semaphore_mem>>)
    %dma_start3A_37 = arith.constant 240 : i32
    %dma_start3A_38 = tpu.memref_slice %arg8[%dma_start3A_37] : memref<10000xi32, #tpu.memory_space<vmem>> -> memref<80xi32, #tpu.memory_space<vmem>>
    %dma_start3A_39 = arith.constant 0 : i32
    %dma_start3A_40 = arith.constant 0 : i32
    %dma_start3A_41 = tpu.memref_slice %arg3[%dma_start3A_39, %dma_start3A_40] : memref<10000x128xf32, #tpu.memory_space<hbm>> -> memref<10000x128xf32, #tpu.memory_space<hbm>>
    tpu.enqueue_indirect_dma source(%dma_start3A_41 : memref<10000x128xf32, #tpu.memory_space<hbm>>) target(%arg16 : memref<80x128xf32, #tpu.memory_space<vmem>>) offsets(%dma_start3A_38 : memref<80xi32, #tpu.memory_space<vmem>>) semaphore(%arg20 : memref<!tpu.dma_semaphore, #tpu.memory_space<semaphore_mem>>)
    %scan3A = arith.constant 0 : i32
    %scan3A_42 = arith.constant 30 : i32
    %scan3A_43 = arith.addi %scan3A, %scan3A_42 : i32
    %scan3A_44 = arith.constant 1 : i32
    scf.for %scan3A_179 = %scan3A to %scan3A_43 step %scan3A_44  : i32 {
      %mul3A_180 = arith.constant 4 : i32
      %mul3A_181 = arith.muli %scan3A_179, %mul3A_180 : i32
      %add3A_182 = arith.constant 0 : i32
      %add3A_183 = arith.addi %add3A_182, %mul3A_181 : i32
      %add3A_184 = arith.constant 0 : i32
      %add3A_185 = arith.addi %add3A_183, %add3A_184 : i32
      %dma_wait3A_186 = arith.constant 0 : i32
      %dma_wait3A_187 = arith.constant 0 : i32
      %dma_wait3A_188 = tpu.memref_slice %arg2[%dma_wait3A_186, %dma_wait3A_187] : memref<10000x128xf32, #tpu.memory_space<hbm>> -> memref<80x128xf32, #tpu.memory_space<hbm>>
      %dma_wait3A_189 = arith.constant 0 : i32
      %dma_wait3A_190 = arith.constant 0 : i32
      %dma_wait3A_191 = tpu.memref_slice %arg2[%dma_wait3A_189, %dma_wait3A_190] : memref<10000x128xf32, #tpu.memory_space<hbm>> -> memref<80x128xf32, #tpu.memory_space<hbm>>
      tpu.wait_dma2 semaphore(%arg17 : memref<!tpu.dma_semaphore, #tpu.memory_space<semaphore_mem>>) src(%dma_wait3A_191 : memref<80x128xf32, #tpu.memory_space<hbm>>) dst(%arg9 : memref<80x128xf32, #tpu.memory_space<vmem>>)
      %dma_wait3A_192 = arith.constant 0 : i32
      %dma_wait3A_193 = arith.constant 0 : i32
      %dma_wait3A_194 = tpu.memref_slice %arg3[%dma_wait3A_192, %dma_wait3A_193] : memref<10000x128xf32, #tpu.memory_space<hbm>> -> memref<80x128xf32, #tpu.memory_space<hbm>>
      %dma_wait3A_195 = arith.constant 0 : i32
      %dma_wait3A_196 = arith.constant 0 : i32
      %dma_wait3A_197 = tpu.memref_slice %arg3[%dma_wait3A_195, %dma_wait3A_196] : memref<10000x128xf32, #tpu.memory_space<hbm>> -> memref<80x128xf32, #tpu.memory_space<hbm>>
      tpu.wait_dma2 semaphore(%arg17 : memref<!tpu.dma_semaphore, #tpu.memory_space<semaphore_mem>>) src(%dma_wait3A_197 : memref<80x128xf32, #tpu.memory_space<hbm>>) dst(%arg13 : memref<80x128xf32, #tpu.memory_space<vmem>>)
      %parallel_loop3A_198 = arith.constant 0 : i32
      %parallel_loop3A_199 = arith.constant 80 : i32
      %parallel_loop3A_200 = arith.constant 1 : i32
      scf.for %parallel_loop3A_352 = %parallel_loop3A_198 to %parallel_loop3A_199 step %parallel_loop3A_200  : i32 {
        %parallel_loop3A_353 = arith.index_cast %parallel_loop3A_352 : i32 to index
        %parallel_loop3A_354 = arith.constant 0 : index
        %parallel_loop3A_355 = tpu.vector_load %arg13[%parallel_loop3A_353, %parallel_loop3A_354] {strides = array<i32>} : memref<80x128xf32, #tpu.memory_space<vmem>>, vector<1x16xf32>,
        %parallel_loop3A_356 = vector.shape_cast %parallel_loop3A_355 : vector<1x16xf32> to vector<16xf32>
        %parallel_loop3A_357 = arith.index_cast %parallel_loop3A_352 : i32 to index
        %parallel_loop3A_358 = arith.constant 0 : index
        %parallel_loop3A_359 = tpu.vector_load %arg9[%parallel_loop3A_357, %parallel_loop3A_358] {strides = array<i32>} : memref<80x128xf32, #tpu.memory_space<vmem>>, vector<1x16xf32>,
        %parallel_loop3A_360 = vector.shape_cast %parallel_loop3A_359 : vector<1x16xf32> to vector<16xf32>
        %parallel_loop3A_361 = vector.shape_cast %parallel_loop3A_356 : vector<16xf32> to vector<1x16xf32>
        tpu.vector_store %arg9[%parallel_loop3A_357, %parallel_loop3A_358], %parallel_loop3A_361 {add = true, strides = array<i32>} : memref<80x128xf32, #tpu.memory_space<vmem>>, vector<1x16xf32>,
        %parallel_loop3A_362 = arith.index_cast %parallel_loop3A_352 : i32 to index
        %parallel_loop3A_363 = arith.constant 16 : index
        %parallel_loop3A_364 = tpu.vector_load %arg13[%parallel_loop3A_362, %parallel_loop3A_363] {strides = array<i32>} : memref<80x128xf32, #tpu.memory_space<vmem>>, vector<1x16xf32>,
        %parallel_loop3A_365 = vector.shape_cast %parallel_loop3A_364 : vector<1x16xf32> to vector<16xf32>
        %parallel_loop3A_366 = arith.index_cast %parallel_loop3A_352 : i32 to index
        %parallel_loop3A_367 = arith.constant 16 : index
        %parallel_loop3A_368 = tpu.vector_load %arg9[%parallel_loop3A_366, %parallel_loop3A_367] {strides = array<i32>} : memref<80x128xf32, #tpu.memory_space<vmem>>, vector<1x16xf32>,
        %parallel_loop3A_369 = vector.shape_cast %parallel_loop3A_368 : vector<1x16xf32> to vector<16xf32>
        %parallel_loop3A_370 = vector.shape_cast %parallel_loop3A_365 : vector<16xf32> to vector<1x16xf32>
        tpu.vector_store %arg9[%parallel_loop3A_366, %parallel_loop3A_367], %parallel_loop3A_370 {add = true, strides = array<i32>} : memref<80x128xf32, #tpu.memory_space<vmem>>, vector<1x16xf32>,
        %parallel_loop3A_371 = arith.index_cast %parallel_loop3A_352 : i32 to index
        %parallel_loop3A_372 = arith.constant 32 : index
        %parallel_loop3A_373 = tpu.vector_load %arg13[%parallel_loop3A_371, %parallel_loop3A_372] {strides = array<i32>} : memref<80x128xf32, #tpu.memory_space<vmem>>, vector<1x16xf32>,
        %parallel_loop3A_374 = vector.shape_cast %parallel_loop3A_373 : vector<1x16xf32> to vector<16xf32>
        %parallel_loop3A_375 = arith.index_cast %parallel_loop3A_352 : i32 to index
        %parallel_loop3A_376 = arith.constant 32 : index
        %parallel_loop3A_377 = tpu.vector_load %arg9[%parallel_loop3A_375, %parallel_loop3A_376] {strides = array<i32>} : memref<80x128xf32, #tpu.memory_space<vmem>>, vector<1x16xf32>,
        %parallel_loop3A_378 = vector.shape_cast %parallel_loop3A_377 : vector<1x16xf32> to vector<16xf32>
        %parallel_loop3A_379 = vector.shape_cast %parallel_loop3A_374 : vector<16xf32> to vector<1x16xf32>
        tpu.vector_store %arg9[%parallel_loop3A_375, %parallel_loop3A_376], %parallel_loop3A_379 {add = true, strides = array<i32>} : memref<80x128xf32, #tpu.memory_space<vmem>>, vector<1x16xf32>,
        %parallel_loop3A_380 = arith.index_cast %parallel_loop3A_352 : i32 to index
        %parallel_loop3A_381 = arith.constant 48 : index
        %parallel_loop3A_382 = tpu.vector_load %arg13[%parallel_loop3A_380, %parallel_loop3A_381] {strides = array<i32>} : memref<80x128xf32, #tpu.memory_space<vmem>>, vector<1x16xf32>,
        %parallel_loop3A_383 = vector.shape_cast %parallel_loop3A_382 : vector<1x16xf32> to vector<16xf32>
        %parallel_loop3A_384 = arith.index_cast %parallel_loop3A_352 : i32 to index
        %parallel_loop3A_385 = arith.constant 48 : index
        %parallel_loop3A_386 = tpu.vector_load %arg9[%parallel_loop3A_384, %parallel_loop3A_385] {strides = array<i32>} : memref<80x128xf32, #tpu.memory_space<vmem>>, vector<1x16xf32>,
        %parallel_loop3A_387 = vector.shape_cast %parallel_loop3A_386 : vector<1x16xf32> to vector<16xf32>
        %parallel_loop3A_388 = vector.shape_cast %parallel_loop3A_383 : vector<16xf32> to vector<1x16xf32>
        tpu.vector_store %arg9[%parallel_loop3A_384, %parallel_loop3A_385], %parallel_loop3A_388 {add = true, strides = array<i32>} : memref<80x128xf32, #tpu.memory_space<vmem>>, vector<1x16xf32>,
        %parallel_loop3A_389 = arith.index_cast %parallel_loop3A_352 : i32 to index
        %parallel_loop3A_390 = arith.constant 64 : index
        %parallel_loop3A_391 = tpu.vector_load %arg13[%parallel_loop3A_389, %parallel_loop3A_390] {strides = array<i32>} : memref<80x128xf32, #tpu.memory_space<vmem>>, vector<1x16xf32>,
        %parallel_loop3A_392 = vector.shape_cast %parallel_loop3A_391 : vector<1x16xf32> to vector<16xf32>
        %parallel_loop3A_393 = arith.index_cast %parallel_loop3A_352 : i32 to index
        %parallel_loop3A_394 = arith.constant 64 : index
        %parallel_loop3A_395 = tpu.vector_load %arg9[%parallel_loop3A_393, %parallel_loop3A_394] {strides = array<i32>} : memref<80x128xf32, #tpu.memory_space<vmem>>, vector<1x16xf32>,
        %parallel_loop3A_396 = vector.shape_cast %parallel_loop3A_395 : vector<1x16xf32> to vector<16xf32>
        %parallel_loop3A_397 = vector.shape_cast %parallel_loop3A_392 : vector<16xf32> to vector<1x16xf32>
        tpu.vector_store %arg9[%parallel_loop3A_393, %parallel_loop3A_394], %parallel_loop3A_397 {add = true, strides = array<i32>} : memref<80x128xf32, #tpu.memory_space<vmem>>, vector<1x16xf32>,
        %parallel_loop3A_398 = arith.index_cast %parallel_loop3A_352 : i32 to index
        %parallel_loop3A_399 = arith.constant 80 : index
        %parallel_loop3A_400 = tpu.vector_load %arg13[%parallel_loop3A_398, %parallel_loop3A_399] {strides = array<i32>} : memref<80x128xf32, #tpu.memory_space<vmem>>, vector<1x16xf32>,
        %parallel_loop3A_401 = vector.shape_cast %parallel_loop3A_400 : vector<1x16xf32> to vector<16xf32>
        %parallel_loop3A_402 = arith.index_cast %parallel_loop3A_352 : i32 to index
        %parallel_loop3A_403 = arith.constant 80 : index
        %parallel_loop3A_404 = tpu.vector_load %arg9[%parallel_loop3A_402, %parallel_loop3A_403] {strides = array<i32>} : memref<80x128xf32, #tpu.memory_space<vmem>>, vector<1x16xf32>,
        %parallel_loop3A_405 = vector.shape_cast %parallel_loop3A_404 : vector<1x16xf32> to vector<16xf32>
        %parallel_loop3A_406 = vector.shape_cast %parallel_loop3A_401 : vector<16xf32> to vector<1x16xf32>
        tpu.vector_store %arg9[%parallel_loop3A_402, %parallel_loop3A_403], %parallel_loop3A_406 {add = true, strides = array<i32>} : memref<80x128xf32, #tpu.memory_space<vmem>>, vector<1x16xf32>,
        %parallel_loop3A_407 = arith.index_cast %parallel_loop3A_352 : i32 to index
        %parallel_loop3A_408 = arith.constant 96 : index
        %parallel_loop3A_409 = tpu.vector_load %arg13[%parallel_loop3A_407, %parallel_loop3A_408] {strides = array<i32>} : memref<80x128xf32, #tpu.memory_space<vmem>>, vector<1x16xf32>,
        %parallel_loop3A_410 = vector.shape_cast %parallel_loop3A_409 : vector<1x16xf32> to vector<16xf32>
        %parallel_loop3A_411 = arith.index_cast %parallel_loop3A_352 : i32 to index
        %parallel_loop3A_412 = arith.constant 96 : index
        %parallel_loop3A_413 = tpu.vector_load %arg9[%parallel_loop3A_411, %parallel_loop3A_412] {strides = array<i32>} : memref<80x128xf32, #tpu.memory_space<vmem>>, vector<1x16xf32>,
        %parallel_loop3A_414 = vector.shape_cast %parallel_loop3A_413 : vector<1x16xf32> to vector<16xf32>
        %parallel_loop3A_415 = vector.shape_cast %parallel_loop3A_410 : vector<16xf32> to vector<1x16xf32>
        tpu.vector_store %arg9[%parallel_loop3A_411, %parallel_loop3A_412], %parallel_loop3A_415 {add = true, strides = array<i32>} : memref<80x128xf32, #tpu.memory_space<vmem>>, vector<1x16xf32>,
        %parallel_loop3A_416 = arith.index_cast %parallel_loop3A_352 : i32 to index
        %parallel_loop3A_417 = arith.constant 112 : index
        %parallel_loop3A_418 = tpu.vector_load %arg13[%parallel_loop3A_416, %parallel_loop3A_417] {strides = array<i32>} : memref<80x128xf32, #tpu.memory_space<vmem>>, vector<1x16xf32>,
        %parallel_loop3A_419 = vector.shape_cast %parallel_loop3A_418 : vector<1x16xf32> to vector<16xf32>
        %parallel_loop3A_420 = arith.index_cast %parallel_loop3A_352 : i32 to index
        %parallel_loop3A_421 = arith.constant 112 : index
        %parallel_loop3A_422 = tpu.vector_load %arg9[%parallel_loop3A_420, %parallel_loop3A_421] {strides = array<i32>} : memref<80x128xf32, #tpu.memory_space<vmem>>, vector<1x16xf32>,
        %parallel_loop3A_423 = vector.shape_cast %parallel_loop3A_422 : vector<1x16xf32> to vector<16xf32>
        %parallel_loop3A_424 = vector.shape_cast %parallel_loop3A_419 : vector<16xf32> to vector<1x16xf32>
        tpu.vector_store %arg9[%parallel_loop3A_420, %parallel_loop3A_421], %parallel_loop3A_424 {add = true, strides = array<i32>} : memref<80x128xf32, #tpu.memory_space<vmem>>, vector<1x16xf32>,
      } {sc.loop_unroll_factor = 2 : i64, sc.parallel_access}
      %mul3A_201 = arith.constant 80 : i32
      %mul3A_202 = arith.muli %add3A_185, %mul3A_201 : i32
      %add3A_203 = arith.addi %mul3A_2, %mul3A_202 : i32
      %dma_start3A_204 = arith.constant 0 : i32
      %dma_start3A_205 = tpu.memref_slice %arg6[%add3A_203, %dma_start3A_204] : memref<320000x128xf32, #tpu.memory_space<hbm>> -> memref<80x128xf32, #tpu.memory_space<hbm>>
      %dma_start3A_206 = arith.constant 0 : i32
      %dma_start3A_207 = tpu.memref_slice %arg6[%add3A_203, %dma_start3A_206] : memref<320000x128xf32, #tpu.memory_space<hbm>> -> memref<80x128xf32, #tpu.memory_space<hbm>>
      tpu.enqueue_dma source(%arg9 : memref<80x128xf32, #tpu.memory_space<vmem>>) target(%dma_start3A_207 : memref<80x128xf32, #tpu.memory_space<hbm>>) target_semaphore(%arg21 : memref<!tpu.dma_semaphore, #tpu.memory_space<semaphore_mem>>)
      %add3A_208 = arith.constant 4 : i32
      %add3A_209 = arith.addi %add3A_183, %add3A_208 : i32
      %add3A_210 = arith.constant 0 : i32
      %add3A_211 = arith.addi %add3A_209, %add3A_210 : i32
      %mul3A_212 = arith.constant 80 : i32
      %mul3A_213 = arith.muli %add3A_211, %mul3A_212 : i32
      %dma_wait3A_214 = arith.constant 0 : i32
      %dma_wait3A_215 = tpu.memref_slice %arg6[%mul3A_2, %dma_wait3A_214] : memref<320000x128xf32, #tpu.memory_space<hbm>> -> memref<80x128xf32, #tpu.memory_space<hbm>>
      %dma_wait3A_216 = arith.constant 0 : i32
      %dma_wait3A_217 = tpu.memref_slice %arg6[%mul3A_2, %dma_wait3A_216] : memref<320000x128xf32, #tpu.memory_space<hbm>> -> memref<80x128xf32, #tpu.memory_space<hbm>>
      tpu.wait_dma2 semaphore(%arg21 : memref<!tpu.dma_semaphore, #tpu.memory_space<semaphore_mem>>) src(%arg9 : memref<80x128xf32, #tpu.memory_space<vmem>>) dst(%dma_wait3A_217 : memref<80x128xf32, #tpu.memory_space<hbm>>)
      %dma_start3A_218 = tpu.memref_slice %arg7[%mul3A_213] : memref<10000xi32, #tpu.memory_space<vmem>> -> memref<80xi32, #tpu.memory_space<vmem>>
      %dma_start3A_219 = arith.constant 0 : i32
      %dma_start3A_220 = arith.constant 0 : i32
      %dma_start3A_221 = tpu.memref_slice %arg2[%dma_start3A_219, %dma_start3A_220] : memref<10000x128xf32, #tpu.memory_space<hbm>> -> memref<10000x128xf32, #tpu.memory_space<hbm>>
      tpu.enqueue_indirect_dma source(%dma_start3A_221 : memref<10000x128xf32, #tpu.memory_space<hbm>>) target(%arg9 : memref<80x128xf32, #tpu.memory_space<vmem>>) offsets(%dma_start3A_218 : memref<80xi32, #tpu.memory_space<vmem>>) semaphore(%arg17 : memref<!tpu.dma_semaphore, #tpu.memory_space<semaphore_mem>>)
      %dma_start3A_222 = tpu.memref_slice %arg8[%mul3A_213] : memref<10000xi32, #tpu.memory_space<vmem>> -> memref<80xi32, #tpu.memory_space<vmem>>
      %dma_start3A_223 = arith.constant 0 : i32
      %dma_start3A_224 = arith.constant 0 : i32
      %dma_start3A_225 = tpu.memref_slice %arg3[%dma_start3A_223, %dma_start3A_224] : memref<10000x128xf32, #tpu.memory_space<hbm>> -> memref<10000x128xf32, #tpu.memory_space<hbm>>
      tpu.enqueue_indirect_dma source(%dma_start3A_225 : memref<10000x128xf32, #tpu.memory_space<hbm>>) target(%arg13 : memref<80x128xf32, #tpu.memory_space<vmem>>) offsets(%dma_start3A_222 : memref<80xi32, #tpu.memory_space<vmem>>) semaphore(%arg17 : memref<!tpu.dma_semaphore, #tpu.memory_space<semaphore_mem>>)
      %add3A_226 = arith.constant 1 : i32
      %add3A_227 = arith.addi %add3A_183, %add3A_226 : i32
      %dma_wait3A_228 = arith.constant 0 : i32
      %dma_wait3A_229 = arith.constant 0 : i32
      %dma_wait3A_230 = tpu.memref_slice %arg2[%dma_wait3A_228, %dma_wait3A_229] : memref<10000x128xf32, #tpu.memory_space<hbm>> -> memref<80x128xf32, #tpu.memory_space<hbm>>
      %dma_wait3A_231 = arith.constant 0 : i32
      %dma_wait3A_232 = arith.constant 0 : i32
      %dma_wait3A_233 = tpu.memref_slice %arg2[%dma_wait3A_231, %dma_wait3A_232] : memref<10000x128xf32, #tpu.memory_space<hbm>> -> memref<80x128xf32, #tpu.memory_space<hbm>>
      tpu.wait_dma2 semaphore(%arg18 : memref<!tpu.dma_semaphore, #tpu.memory_space<semaphore_mem>>) src(%dma_wait3A_233 : memref<80x128xf32, #tpu.memory_space<hbm>>) dst(%arg10 : memref<80x128xf32, #tpu.memory_space<vmem>>)
      %dma_wait3A_234 = arith.constant 0 : i32
      %dma_wait3A_235 = arith.constant 0 : i32
      %dma_wait3A_236 = tpu.memref_slice %arg3[%dma_wait3A_234, %dma_wait3A_235] : memref<10000x128xf32, #tpu.memory_space<hbm>> -> memref<80x128xf32, #tpu.memory_space<hbm>>
      %dma_wait3A_237 = arith.constant 0 : i32
      %dma_wait3A_238 = arith.constant 0 : i32
      %dma_wait3A_239 = tpu.memref_slice %arg3[%dma_wait3A_237, %dma_wait3A_238] : memref<10000x128xf32, #tpu.memory_space<hbm>> -> memref<80x128xf32, #tpu.memory_space<hbm>>
      tpu.wait_dma2 semaphore(%arg18 : memref<!tpu.dma_semaphore, #tpu.memory_space<semaphore_mem>>) src(%dma_wait3A_239 : memref<80x128xf32, #tpu.memory_space<hbm>>) dst(%arg14 : memref<80x128xf32, #tpu.memory_space<vmem>>)
      %parallel_loop3A_240 = arith.constant 0 : i32
      %parallel_loop3A_241 = arith.constant 80 : i32
      %parallel_loop3A_242 = arith.constant 1 : i32
      scf.for %parallel_loop3A_352 = %parallel_loop3A_240 to %parallel_loop3A_241 step %parallel_loop3A_242  : i32 {
        %parallel_loop3A_353 = arith.index_cast %parallel_loop3A_352 : i32 to index
        %parallel_loop3A_354 = arith.constant 0 : index
        %parallel_loop3A_355 = tpu.vector_load %arg14[%parallel_loop3A_353, %parallel_loop3A_354] {strides = array<i32>} : memref<80x128xf32, #tpu.memory_space<vmem>>, vector<1x16xf32>,
        %parallel_loop3A_356 = vector.shape_cast %parallel_loop3A_355 : vector<1x16xf32> to vector<16xf32>
        %parallel_loop3A_357 = arith.index_cast %parallel_loop3A_352 : i32 to index
        %parallel_loop3A_358 = arith.constant 0 : index
        %parallel_loop3A_359 = tpu.vector_load %arg10[%parallel_loop3A_357, %parallel_loop3A_358] {strides = array<i32>} : memref<80x128xf32, #tpu.memory_space<vmem>>, vector<1x16xf32>,
        %parallel_loop3A_360 = vector.shape_cast %parallel_loop3A_359 : vector<1x16xf32> to vector<16xf32>
        %parallel_loop3A_361 = vector.shape_cast %parallel_loop3A_356 : vector<16xf32> to vector<1x16xf32>
        tpu.vector_store %arg10[%parallel_loop3A_357, %parallel_loop3A_358], %parallel_loop3A_361 {add = true, strides = array<i32>} : memref<80x128xf32, #tpu.memory_space<vmem>>, vector<1x16xf32>,
        %parallel_loop3A_362 = arith.index_cast %parallel_loop3A_352 : i32 to index
        %parallel_loop3A_363 = arith.constant 16 : index
        %parallel_loop3A_364 = tpu.vector_load %arg14[%parallel_loop3A_362, %parallel_loop3A_363] {strides = array<i32>} : memref<80x128xf32, #tpu.memory_space<vmem>>, vector<1x16xf32>,
        %parallel_loop3A_365 = vector.shape_cast %parallel_loop3A_364 : vector<1x16xf32> to vector<16xf32>
        %parallel_loop3A_366 = arith.index_cast %parallel_loop3A_352 : i32 to index
        %parallel_loop3A_367 = arith.constant 16 : index
        %parallel_loop3A_368 = tpu.vector_load %arg10[%parallel_loop3A_366, %parallel_loop3A_367] {strides = array<i32>} : memref<80x128xf32, #tpu.memory_space<vmem>>, vector<1x16xf32>,
        %parallel_loop3A_369 = vector.shape_cast %parallel_loop3A_368 : vector<1x16xf32> to vector<16xf32>
        %parallel_loop3A_370 = vector.shape_cast %parallel_loop3A_365 : vector<16xf32> to vector<1x16xf32>
        tpu.vector_store %arg10[%parallel_loop3A_366, %parallel_loop3A_367], %parallel_loop3A_370 {add = true, strides = array<i32>} : memref<80x128xf32, #tpu.memory_space<vmem>>, vector<1x16xf32>,
        %parallel_loop3A_371 = arith.index_cast %parallel_loop3A_352 : i32 to index
        %parallel_loop3A_372 = arith.constant 32 : index
        %parallel_loop3A_373 = tpu.vector_load %arg14[%parallel_loop3A_371, %parallel_loop3A_372] {strides = array<i32>} : memref<80x128xf32, #tpu.memory_space<vmem>>, vector<1x16xf32>,
        %parallel_loop3A_374 = vector.shape_cast %parallel_loop3A_373 : vector<1x16xf32> to vector<16xf32>
        %parallel_loop3A_375 = arith.index_cast %parallel_loop3A_352 : i32 to index
        %parallel_loop3A_376 = arith.constant 32 : index
        %parallel_loop3A_377 = tpu.vector_load %arg10[%parallel_loop3A_375, %parallel_loop3A_376] {strides = array<i32>} : memref<80x128xf32, #tpu.memory_space<vmem>>, vector<1x16xf32>,
        %parallel_loop3A_378 = vector.shape_cast %parallel_loop3A_377 : vector<1x16xf32> to vector<16xf32>
        %parallel_loop3A_379 = vector.shape_cast %parallel_loop3A_374 : vector<16xf32> to vector<1x16xf32>
        tpu.vector_store %arg10[%parallel_loop3A_375, %parallel_loop3A_376], %parallel_loop3A_379 {add = true, strides = array<i32>} : memref<80x128xf32, #tpu.memory_space<vmem>>, vector<1x16xf32>,
        %parallel_loop3A_380 = arith.index_cast %parallel_loop3A_352 : i32 to index
        %parallel_loop3A_381 = arith.constant 48 : index
        %parallel_loop3A_382 = tpu.vector_load %arg14[%parallel_loop3A_380, %parallel_loop3A_381] {strides = array<i32>} : memref<80x128xf32, #tpu.memory_space<vmem>>, vector<1x16xf32>,
        %parallel_loop3A_383 = vector.shape_cast %parallel_loop3A_382 : vector<1x16xf32> to vector<16xf32>
        %parallel_loop3A_384 = arith.index_cast %parallel_loop3A_352 : i32 to index
        %parallel_loop3A_385 = arith.constant 48 : index
        %parallel_loop3A_386 = tpu.vector_load %arg10[%parallel_loop3A_384, %parallel_loop3A_385] {strides = array<i32>} : memref<80x128xf32, #tpu.memory_space<vmem>>, vector<1x16xf32>,
        %parallel_loop3A_387 = vector.shape_cast %parallel_loop3A_386 : vector<1x16xf32> to vector<16xf32>
        %parallel_loop3A_388 = vector.shape_cast %parallel_loop3A_383 : vector<16xf32> to vector<1x16xf32>
        tpu.vector_store %arg10[%parallel_loop3A_384, %parallel_loop3A_385], %parallel_loop3A_388 {add = true, strides = array<i32>} : memref<80x128xf32, #tpu.memory_space<vmem>>, vector<1x16xf32>,
        %parallel_loop3A_389 = arith.index_cast %parallel_loop3A_352 : i32 to index
        %parallel_loop3A_390 = arith.constant 64 : index
        %parallel_loop3A_391 = tpu.vector_load %arg14[%parallel_loop3A_389, %parallel_loop3A_390] {strides = array<i32>} : memref<80x128xf32, #tpu.memory_space<vmem>>, vector<1x16xf32>,
        %parallel_loop3A_392 = vector.shape_cast %parallel_loop3A_391 : vector<1x16xf32> to vector<16xf32>
        %parallel_loop3A_393 = arith.index_cast %parallel_loop3A_352 : i32 to index
        %parallel_loop3A_394 = arith.constant 64 : index
        %parallel_loop3A_395 = tpu.vector_load %arg10[%parallel_loop3A_393, %parallel_loop3A_394] {strides = array<i32>} : memref<80x128xf32, #tpu.memory_space<vmem>>, vector<1x16xf32>,
        %parallel_loop3A_396 = vector.shape_cast %parallel_loop3A_395 : vector<1x16xf32> to vector<16xf32>
        %parallel_loop3A_397 = vector.shape_cast %parallel_loop3A_392 : vector<16xf32> to vector<1x16xf32>
        tpu.vector_store %arg10[%parallel_loop3A_393, %parallel_loop3A_394], %parallel_loop3A_397 {add = true, strides = array<i32>} : memref<80x128xf32, #tpu.memory_space<vmem>>, vector<1x16xf32>,
        %parallel_loop3A_398 = arith.index_cast %parallel_loop3A_352 : i32 to index
        %parallel_loop3A_399 = arith.constant 80 : index
        %parallel_loop3A_400 = tpu.vector_load %arg14[%parallel_loop3A_398, %parallel_loop3A_399] {strides = array<i32>} : memref<80x128xf32, #tpu.memory_space<vmem>>, vector<1x16xf32>,
        %parallel_loop3A_401 = vector.shape_cast %parallel_loop3A_400 : vector<1x16xf32> to vector<16xf32>
        %parallel_loop3A_402 = arith.index_cast %parallel_loop3A_352 : i32 to index
        %parallel_loop3A_403 = arith.constant 80 : index
        %parallel_loop3A_404 = tpu.vector_load %arg10[%parallel_loop3A_402, %parallel_loop3A_403] {strides = array<i32>} : memref<80x128xf32, #tpu.memory_space<vmem>>, vector<1x16xf32>,
        %parallel_loop3A_405 = vector.shape_cast %parallel_loop3A_404 : vector<1x16xf32> to vector<16xf32>
        %parallel_loop3A_406 = vector.shape_cast %parallel_loop3A_401 : vector<16xf32> to vector<1x16xf32>
        tpu.vector_store %arg10[%parallel_loop3A_402, %parallel_loop3A_403], %parallel_loop3A_406 {add = true, strides = array<i32>} : memref<80x128xf32, #tpu.memory_space<vmem>>, vector<1x16xf32>,
        %parallel_loop3A_407 = arith.index_cast %parallel_loop3A_352 : i32 to index
        %parallel_loop3A_408 = arith.constant 96 : index
        %parallel_loop3A_409 = tpu.vector_load %arg14[%parallel_loop3A_407, %parallel_loop3A_408] {strides = array<i32>} : memref<80x128xf32, #tpu.memory_space<vmem>>, vector<1x16xf32>,
        %parallel_loop3A_410 = vector.shape_cast %parallel_loop3A_409 : vector<1x16xf32> to vector<16xf32>
        %parallel_loop3A_411 = arith.index_cast %parallel_loop3A_352 : i32 to index
        %parallel_loop3A_412 = arith.constant 96 : index
        %parallel_loop3A_413 = tpu.vector_load %arg10[%parallel_loop3A_411, %parallel_loop3A_412] {strides = array<i32>} : memref<80x128xf32, #tpu.memory_space<vmem>>, vector<1x16xf32>,
        %parallel_loop3A_414 = vector.shape_cast %parallel_loop3A_413 : vector<1x16xf32> to vector<16xf32>
        %parallel_loop3A_415 = vector.shape_cast %parallel_loop3A_410 : vector<16xf32> to vector<1x16xf32>
        tpu.vector_store %arg10[%parallel_loop3A_411, %parallel_loop3A_412], %parallel_loop3A_415 {add = true, strides = array<i32>} : memref<80x128xf32, #tpu.memory_space<vmem>>, vector<1x16xf32>,
        %parallel_loop3A_416 = arith.index_cast %parallel_loop3A_352 : i32 to index
        %parallel_loop3A_417 = arith.constant 112 : index
        %parallel_loop3A_418 = tpu.vector_load %arg14[%parallel_loop3A_416, %parallel_loop3A_417] {strides = array<i32>} : memref<80x128xf32, #tpu.memory_space<vmem>>, vector<1x16xf32>,
        %parallel_loop3A_419 = vector.shape_cast %parallel_loop3A_418 : vector<1x16xf32> to vector<16xf32>
        %parallel_loop3A_420 = arith.index_cast %parallel_loop3A_352 : i32 to index
        %parallel_loop3A_421 = arith.constant 112 : index
        %parallel_loop3A_422 = tpu.vector_load %arg10[%parallel_loop3A_420, %parallel_loop3A_421] {strides = array<i32>} : memref<80x128xf32, #tpu.memory_space<vmem>>, vector<1x16xf32>,
        %parallel_loop3A_423 = vector.shape_cast %parallel_loop3A_422 : vector<1x16xf32> to vector<16xf32>
        %parallel_loop3A_424 = vector.shape_cast %parallel_loop3A_419 : vector<16xf32> to vector<1x16xf32>
        tpu.vector_store %arg10[%parallel_loop3A_420, %parallel_loop3A_421], %parallel_loop3A_424 {add = true, strides = array<i32>} : memref<80x128xf32, #tpu.memory_space<vmem>>, vector<1x16xf32>,
      } {sc.loop_unroll_factor = 2 : i64, sc.parallel_access}
      %mul3A_243 = arith.constant 80 : i32
      %mul3A_244 = arith.muli %add3A_227, %mul3A_243 : i32
      %add3A_245 = arith.addi %mul3A_2, %mul3A_244 : i32
      %dma_start3A_246 = arith.constant 0 : i32
      %dma_start3A_247 = tpu.memref_slice %arg6[%add3A_245, %dma_start3A_246] : memref<320000x128xf32, #tpu.memory_space<hbm>> -> memref<80x128xf32, #tpu.memory_space<hbm>>
      %dma_start3A_248 = arith.constant 0 : i32
      %dma_start3A_249 = tpu.memref_slice %arg6[%add3A_245, %dma_start3A_248] : memref<320000x128xf32, #tpu.memory_space<hbm>> -> memref<80x128xf32, #tpu.memory_space<hbm>>
      tpu.enqueue_dma source(%arg10 : memref<80x128xf32, #tpu.memory_space<vmem>>) target(%dma_start3A_249 : memref<80x128xf32, #tpu.memory_space<hbm>>) target_semaphore(%arg22 : memref<!tpu.dma_semaphore, #tpu.memory_space<semaphore_mem>>)
      %add3A_250 = arith.constant 4 : i32
      %add3A_251 = arith.addi %add3A_183, %add3A_250 : i32
      %add3A_252 = arith.constant 1 : i32
      %add3A_253 = arith.addi %add3A_251, %add3A_252 : i32
      %mul3A_254 = arith.constant 80 : i32
      %mul3A_255 = arith.muli %add3A_253, %mul3A_254 : i32
      %dma_wait3A_256 = arith.constant 0 : i32
      %dma_wait3A_257 = tpu.memref_slice %arg6[%mul3A_2, %dma_wait3A_256] : memref<320000x128xf32, #tpu.memory_space<hbm>> -> memref<80x128xf32, #tpu.memory_space<hbm>>
      %dma_wait3A_258 = arith.constant 0 : i32
      %dma_wait3A_259 = tpu.memref_slice %arg6[%mul3A_2, %dma_wait3A_258] : memref<320000x128xf32, #tpu.memory_space<hbm>> -> memref<80x128xf32, #tpu.memory_space<hbm>>
      tpu.wait_dma2 semaphore(%arg22 : memref<!tpu.dma_semaphore, #tpu.memory_space<semaphore_mem>>) src(%arg10 : memref<80x128xf32, #tpu.memory_space<vmem>>) dst(%dma_wait3A_259 : memref<80x128xf32, #tpu.memory_space<hbm>>)
      %dma_start3A_260 = tpu.memref_slice %arg7[%mul3A_255] : memref<10000xi32, #tpu.memory_space<vmem>> -> memref<80xi32, #tpu.memory_space<vmem>>
      %dma_start3A_261 = arith.constant 0 : i32
      %dma_start3A_262 = arith.constant 0 : i32
      %dma_start3A_263 = tpu.memref_slice %arg2[%dma_start3A_261, %dma_start3A_262] : memref<10000x128xf32, #tpu.memory_space<hbm>> -> memref<10000x128xf32, #tpu.memory_space<hbm>>
      tpu.enqueue_indirect_dma source(%dma_start3A_263 : memref<10000x128xf32, #tpu.memory_space<hbm>>) target(%arg10 : memref<80x128xf32, #tpu.memory_space<vmem>>) offsets(%dma_start3A_260 : memref<80xi32, #tpu.memory_space<vmem>>) semaphore(%arg18 : memref<!tpu.dma_semaphore, #tpu.memory_space<semaphore_mem>>)
      %dma_start3A_264 = tpu.memref_slice %arg8[%mul3A_255] : memref<10000xi32, #tpu.memory_space<vmem>> -> memref<80xi32, #tpu.memory_space<vmem>>
      %dma_start3A_265 = arith.constant 0 : i32
      %dma_start3A_266 = arith.constant 0 : i32
      %dma_start3A_267 = tpu.memref_slice %arg3[%dma_start3A_265, %dma_start3A_266] : memref<10000x128xf32, #tpu.memory_space<hbm>> -> memref<10000x128xf32, #tpu.memory_space<hbm>>
      tpu.enqueue_indirect_dma source(%dma_start3A_267 : memref<10000x128xf32, #tpu.memory_space<hbm>>) target(%arg14 : memref<80x128xf32, #tpu.memory_space<vmem>>) offsets(%dma_start3A_264 : memref<80xi32, #tpu.memory_space<vmem>>) semaphore(%arg18 : memref<!tpu.dma_semaphore, #tpu.memory_space<semaphore_mem>>)
      %add3A_268 = arith.constant 2 : i32
      %add3A_269 = arith.addi %add3A_183, %add3A_268 : i32
      %dma_wait3A_270 = arith.constant 0 : i32
      %dma_wait3A_271 = arith.constant 0 : i32
      %dma_wait3A_272 = tpu.memref_slice %arg2[%dma_wait3A_270, %dma_wait3A_271] : memref<10000x128xf32, #tpu.memory_space<hbm>> -> memref<80x128xf32, #tpu.memory_space<hbm>>
      %dma_wait3A_273 = arith.constant 0 : i32
      %dma_wait3A_274 = arith.constant 0 : i32
      %dma_wait3A_275 = tpu.memref_slice %arg2[%dma_wait3A_273, %dma_wait3A_274] : memref<10000x128xf32, #tpu.memory_space<hbm>> -> memref<80x128xf32, #tpu.memory_space<hbm>>
      tpu.wait_dma2 semaphore(%arg19 : memref<!tpu.dma_semaphore, #tpu.memory_space<semaphore_mem>>) src(%dma_wait3A_275 : memref<80x128xf32, #tpu.memory_space<hbm>>) dst(%arg11 : memref<80x128xf32, #tpu.memory_space<vmem>>)
      %dma_wait3A_276 = arith.constant 0 : i32
      %dma_wait3A_277 = arith.constant 0 : i32
      %dma_wait3A_278 = tpu.memref_slice %arg3[%dma_wait3A_276, %dma_wait3A_277] : memref<10000x128xf32, #tpu.memory_space<hbm>> -> memref<80x128xf32, #tpu.memory_space<hbm>>
      %dma_wait3A_279 = arith.constant 0 : i32
      %dma_wait3A_280 = arith.constant 0 : i32
      %dma_wait3A_281 = tpu.memref_slice %arg3[%dma_wait3A_279, %dma_wait3A_280] : memref<10000x128xf32, #tpu.memory_space<hbm>> -> memref<80x128xf32, #tpu.memory_space<hbm>>
      tpu.wait_dma2 semaphore(%arg19 : memref<!tpu.dma_semaphore, #tpu.memory_space<semaphore_mem>>) src(%dma_wait3A_281 : memref<80x128xf32, #tpu.memory_space<hbm>>) dst(%arg15 : memref<80x128xf32, #tpu.memory_space<vmem>>)
      %parallel_loop3A_282 = arith.constant 0 : i32
      %parallel_loop3A_283 = arith.constant 80 : i32
      %parallel_loop3A_284 = arith.constant 1 : i32
      scf.for %parallel_loop3A_352 = %parallel_loop3A_282 to %parallel_loop3A_283 step %parallel_loop3A_284  : i32 {
        %parallel_loop3A_353 = arith.index_cast %parallel_loop3A_352 : i32 to index
        %parallel_loop3A_354 = arith.constant 0 : index
        %parallel_loop3A_355 = tpu.vector_load %arg15[%parallel_loop3A_353, %parallel_loop3A_354] {strides = array<i32>} : memref<80x128xf32, #tpu.memory_space<vmem>>, vector<1x16xf32>,
        %parallel_loop3A_356 = vector.shape_cast %parallel_loop3A_355 : vector<1x16xf32> to vector<16xf32>
        %parallel_loop3A_357 = arith.index_cast %parallel_loop3A_352 : i32 to index
        %parallel_loop3A_358 = arith.constant 0 : index
        %parallel_loop3A_359 = tpu.vector_load %arg11[%parallel_loop3A_357, %parallel_loop3A_358] {strides = array<i32>} : memref<80x128xf32, #tpu.memory_space<vmem>>, vector<1x16xf32>,
        %parallel_loop3A_360 = vector.shape_cast %parallel_loop3A_359 : vector<1x16xf32> to vector<16xf32>
        %parallel_loop3A_361 = vector.shape_cast %parallel_loop3A_356 : vector<16xf32> to vector<1x16xf32>
        tpu.vector_store %arg11[%parallel_loop3A_357, %parallel_loop3A_358], %parallel_loop3A_361 {add = true, strides = array<i32>} : memref<80x128xf32, #tpu.memory_space<vmem>>, vector<1x16xf32>,
        %parallel_loop3A_362 = arith.index_cast %parallel_loop3A_352 : i32 to index
        %parallel_loop3A_363 = arith.constant 16 : index
        %parallel_loop3A_364 = tpu.vector_load %arg15[%parallel_loop3A_362, %parallel_loop3A_363] {strides = array<i32>} : memref<80x128xf32, #tpu.memory_space<vmem>>, vector<1x16xf32>,
        %parallel_loop3A_365 = vector.shape_cast %parallel_loop3A_364 : vector<1x16xf32> to vector<16xf32>
        %parallel_loop3A_366 = arith.index_cast %parallel_loop3A_352 : i32 to index
        %parallel_loop3A_367 = arith.constant 16 : index
        %parallel_loop3A_368 = tpu.vector_load %arg11[%parallel_loop3A_366, %parallel_loop3A_367] {strides = array<i32>} : memref<80x128xf32, #tpu.memory_space<vmem>>, vector<1x16xf32>,
        %parallel_loop3A_369 = vector.shape_cast %parallel_loop3A_368 : vector<1x16xf32> to vector<16xf32>
        %parallel_loop3A_370 = vector.shape_cast %parallel_loop3A_365 : vector<16xf32> to vector<1x16xf32>
        tpu.vector_store %arg11[%parallel_loop3A_366, %parallel_loop3A_367], %parallel_loop3A_370 {add = true, strides = array<i32>} : memref<80x128xf32, #tpu.memory_space<vmem>>, vector<1x16xf32>,
        %parallel_loop3A_371 = arith.index_cast %parallel_loop3A_352 : i32 to index
        %parallel_loop3A_372 = arith.constant 32 : index
        %parallel_loop3A_373 = tpu.vector_load %arg15[%parallel_loop3A_371, %parallel_loop3A_372] {strides = array<i32>} : memref<80x128xf32, #tpu.memory_space<vmem>>, vector<1x16xf32>,
        %parallel_loop3A_374 = vector.shape_cast %parallel_loop3A_373 : vector<1x16xf32> to vector<16xf32>
        %parallel_loop3A_375 = arith.index_cast %parallel_loop3A_352 : i32 to index
        %parallel_loop3A_376 = arith.constant 32 : index
        %parallel_loop3A_377 = tpu.vector_load %arg11[%parallel_loop3A_375, %parallel_loop3A_376] {strides = array<i32>} : memref<80x128xf32, #tpu.memory_space<vmem>>, vector<1x16xf32>,
        %parallel_loop3A_378 = vector.shape_cast %parallel_loop3A_377 : vector<1x16xf32> to vector<16xf32>
        %parallel_loop3A_379 = vector.shape_cast %parallel_loop3A_374 : vector<16xf32> to vector<1x16xf32>
        tpu.vector_store %arg11[%parallel_loop3A_375, %parallel_loop3A_376], %parallel_loop3A_379 {add = true, strides = array<i32>} : memref<80x128xf32, #tpu.memory_space<vmem>>, vector<1x16xf32>,
        %parallel_loop3A_380 = arith.index_cast %parallel_loop3A_352 : i32 to index
        %parallel_loop3A_381 = arith.constant 48 : index
        %parallel_loop3A_382 = tpu.vector_load %arg15[%parallel_loop3A_380, %parallel_loop3A_381] {strides = array<i32>} : memref<80x128xf32, #tpu.memory_space<vmem>>, vector<1x16xf32>,
        %parallel_loop3A_383 = vector.shape_cast %parallel_loop3A_382 : vector<1x16xf32> to vector<16xf32>
        %parallel_loop3A_384 = arith.index_cast %parallel_loop3A_352 : i32 to index
        %parallel_loop3A_385 = arith.constant 48 : index
        %parallel_loop3A_386 = tpu.vector_load %arg11[%parallel_loop3A_384, %parallel_loop3A_385] {strides = array<i32>} : memref<80x128xf32, #tpu.memory_space<vmem>>, vector<1x16xf32>,
        %parallel_loop3A_387 = vector.shape_cast %parallel_loop3A_386 : vector<1x16xf32> to vector<16xf32>
        %parallel_loop3A_388 = vector.shape_cast %parallel_loop3A_383 : vector<16xf32> to vector<1x16xf32>
        tpu.vector_store %arg11[%parallel_loop3A_384, %parallel_loop3A_385], %parallel_loop3A_388 {add = true, strides = array<i32>} : memref<80x128xf32, #tpu.memory_space<vmem>>, vector<1x16xf32>,
        %parallel_loop3A_389 = arith.index_cast %parallel_loop3A_352 : i32 to index
        %parallel_loop3A_390 = arith.constant 64 : index
        %parallel_loop3A_391 = tpu.vector_load %arg15[%parallel_loop3A_389, %parallel_loop3A_390] {strides = array<i32>} : memref<80x128xf32, #tpu.memory_space<vmem>>, vector<1x16xf32>,
        %parallel_loop3A_392 = vector.shape_cast %parallel_loop3A_391 : vector<1x16xf32> to vector<16xf32>
        %parallel_loop3A_393 = arith.index_cast %parallel_loop3A_352 : i32 to index
        %parallel_loop3A_394 = arith.constant 64 : index
        %parallel_loop3A_395 = tpu.vector_load %arg11[%parallel_loop3A_393, %parallel_loop3A_394] {strides = array<i32>} : memref<80x128xf32, #tpu.memory_space<vmem>>, vector<1x16xf32>,
        %parallel_loop3A_396 = vector.shape_cast %parallel_loop3A_395 : vector<1x16xf32> to vector<16xf32>
        %parallel_loop3A_397 = vector.shape_cast %parallel_loop3A_392 : vector<16xf32> to vector<1x16xf32>
        tpu.vector_store %arg11[%parallel_loop3A_393, %parallel_loop3A_394], %parallel_loop3A_397 {add = true, strides = array<i32>} : memref<80x128xf32, #tpu.memory_space<vmem>>, vector<1x16xf32>,
        %parallel_loop3A_398 = arith.index_cast %parallel_loop3A_352 : i32 to index
        %parallel_loop3A_399 = arith.constant 80 : index
        %parallel_loop3A_400 = tpu.vector_load %arg15[%parallel_loop3A_398, %parallel_loop3A_399] {strides = array<i32>} : memref<80x128xf32, #tpu.memory_space<vmem>>, vector<1x16xf32>,
        %parallel_loop3A_401 = vector.shape_cast %parallel_loop3A_400 : vector<1x16xf32> to vector<16xf32>
        %parallel_loop3A_402 = arith.index_cast %parallel_loop3A_352 : i32 to index
        %parallel_loop3A_403 = arith.constant 80 : index
        %parallel_loop3A_404 = tpu.vector_load %arg11[%parallel_loop3A_402, %parallel_loop3A_403] {strides = array<i32>} : memref<80x128xf32, #tpu.memory_space<vmem>>, vector<1x16xf32>,
        %parallel_loop3A_405 = vector.shape_cast %parallel_loop3A_404 : vector<1x16xf32> to vector<16xf32>
        %parallel_loop3A_406 = vector.shape_cast %parallel_loop3A_401 : vector<16xf32> to vector<1x16xf32>
        tpu.vector_store %arg11[%parallel_loop3A_402, %parallel_loop3A_403], %parallel_loop3A_406 {add = true, strides = array<i32>} : memref<80x128xf32, #tpu.memory_space<vmem>>, vector<1x16xf32>,
        %parallel_loop3A_407 = arith.index_cast %parallel_loop3A_352 : i32 to index
        %parallel_loop3A_408 = arith.constant 96 : index
        %parallel_loop3A_409 = tpu.vector_load %arg15[%parallel_loop3A_407, %parallel_loop3A_408] {strides = array<i32>} : memref<80x128xf32, #tpu.memory_space<vmem>>, vector<1x16xf32>,
        %parallel_loop3A_410 = vector.shape_cast %parallel_loop3A_409 : vector<1x16xf32> to vector<16xf32>
        %parallel_loop3A_411 = arith.index_cast %parallel_loop3A_352 : i32 to index
        %parallel_loop3A_412 = arith.constant 96 : index
        %parallel_loop3A_413 = tpu.vector_load %arg11[%parallel_loop3A_411, %parallel_loop3A_412] {strides = array<i32>} : memref<80x128xf32, #tpu.memory_space<vmem>>, vector<1x16xf32>,
        %parallel_loop3A_414 = vector.shape_cast %parallel_loop3A_413 : vector<1x16xf32> to vector<16xf32>
        %parallel_loop3A_415 = vector.shape_cast %parallel_loop3A_410 : vector<16xf32> to vector<1x16xf32>
        tpu.vector_store %arg11[%parallel_loop3A_411, %parallel_loop3A_412], %parallel_loop3A_415 {add = true, strides = array<i32>} : memref<80x128xf32, #tpu.memory_space<vmem>>, vector<1x16xf32>,
        %parallel_loop3A_416 = arith.index_cast %parallel_loop3A_352 : i32 to index
        %parallel_loop3A_417 = arith.constant 112 : index
        %parallel_loop3A_418 = tpu.vector_load %arg15[%parallel_loop3A_416, %parallel_loop3A_417] {strides = array<i32>} : memref<80x128xf32, #tpu.memory_space<vmem>>, vector<1x16xf32>,
        %parallel_loop3A_419 = vector.shape_cast %parallel_loop3A_418 : vector<1x16xf32> to vector<16xf32>
        %parallel_loop3A_420 = arith.index_cast %parallel_loop3A_352 : i32 to index
        %parallel_loop3A_421 = arith.constant 112 : index
        %parallel_loop3A_422 = tpu.vector_load %arg11[%parallel_loop3A_420, %parallel_loop3A_421] {strides = array<i32>} : memref<80x128xf32, #tpu.memory_space<vmem>>, vector<1x16xf32>,
        %parallel_loop3A_423 = vector.shape_cast %parallel_loop3A_422 : vector<1x16xf32> to vector<16xf32>
        %parallel_loop3A_424 = vector.shape_cast %parallel_loop3A_419 : vector<16xf32> to vector<1x16xf32>
        tpu.vector_store %arg11[%parallel_loop3A_420, %parallel_loop3A_421], %parallel_loop3A_424 {add = true, strides = array<i32>} : memref<80x128xf32, #tpu.memory_space<vmem>>, vector<1x16xf32>,
      } {sc.loop_unroll_factor = 2 : i64, sc.parallel_access}
      %mul3A_285 = arith.constant 80 : i32
      %mul3A_286 = arith.muli %add3A_269, %mul3A_285 : i32
      %add3A_287 = arith.addi %mul3A_2, %mul3A_286 : i32
      %dma_start3A_288 = arith.constant 0 : i32
      %dma_start3A_289 = tpu.memref_slice %arg6[%add3A_287, %dma_start3A_288] : memref<320000x128xf32, #tpu.memory_space<hbm>> -> memref<80x128xf32, #tpu.memory_space<hbm>>
      %dma_start3A_290 = arith.constant 0 : i32
      %dma_start3A_291 = tpu.memref_slice %arg6[%add3A_287, %dma_start3A_290] : memref<320000x128xf32, #tpu.memory_space<hbm>> -> memref<80x128xf32, #tpu.memory_space<hbm>>
      tpu.enqueue_dma source(%arg11 : memref<80x128xf32, #tpu.memory_space<vmem>>) target(%dma_start3A_291 : memref<80x128xf32, #tpu.memory_space<hbm>>) target_semaphore(%arg23 : memref<!tpu.dma_semaphore, #tpu.memory_space<semaphore_mem>>)
      %add3A_292 = arith.constant 4 : i32
      %add3A_293 = arith.addi %add3A_183, %add3A_292 : i32
      %add3A_294 = arith.constant 2 : i32
      %add3A_295 = arith.addi %add3A_293, %add3A_294 : i32
      %mul3A_296 = arith.constant 80 : i32
      %mul3A_297 = arith.muli %add3A_295, %mul3A_296 : i32
      %dma_wait3A_298 = arith.constant 0 : i32
      %dma_wait3A_299 = tpu.memref_slice %arg6[%mul3A_2, %dma_wait3A_298] : memref<320000x128xf32, #tpu.memory_space<hbm>> -> memref<80x128xf32, #tpu.memory_space<hbm>>
      %dma_wait3A_300 = arith.constant 0 : i32
      %dma_wait3A_301 = tpu.memref_slice %arg6[%mul3A_2, %dma_wait3A_300] : memref<320000x128xf32, #tpu.memory_space<hbm>> -> memref<80x128xf32, #tpu.memory_space<hbm>>
      tpu.wait_dma2 semaphore(%arg23 : memref<!tpu.dma_semaphore, #tpu.memory_space<semaphore_mem>>) src(%arg11 : memref<80x128xf32, #tpu.memory_space<vmem>>) dst(%dma_wait3A_301 : memref<80x128xf32, #tpu.memory_space<hbm>>)
      %dma_start3A_302 = tpu.memref_slice %arg7[%mul3A_297] : memref<10000xi32, #tpu.memory_space<vmem>> -> memref<80xi32, #tpu.memory_space<vmem>>
      %dma_start3A_303 = arith.constant 0 : i32
      %dma_start3A_304 = arith.constant 0 : i32
      %dma_start3A_305 = tpu.memref_slice %arg2[%dma_start3A_303, %dma_start3A_304] : memref<10000x128xf32, #tpu.memory_space<hbm>> -> memref<10000x128xf32, #tpu.memory_space<hbm>>
      tpu.enqueue_indirect_dma source(%dma_start3A_305 : memref<10000x128xf32, #tpu.memory_space<hbm>>) target(%arg11 : memref<80x128xf32, #tpu.memory_space<vmem>>) offsets(%dma_start3A_302 : memref<80xi32, #tpu.memory_space<vmem>>) semaphore(%arg19 : memref<!tpu.dma_semaphore, #tpu.memory_space<semaphore_mem>>)
      %dma_start3A_306 = tpu.memref_slice %arg8[%mul3A_297] : memref<10000xi32, #tpu.memory_space<vmem>> -> memref<80xi32, #tpu.memory_space<vmem>>
      %dma_start3A_307 = arith.constant 0 : i32
      %dma_start3A_308 = arith.constant 0 : i32
      %dma_start3A_309 = tpu.memref_slice %arg3[%dma_start3A_307, %dma_start3A_308] : memref<10000x128xf32, #tpu.memory_space<hbm>> -> memref<10000x128xf32, #tpu.memory_space<hbm>>
      tpu.enqueue_indirect_dma source(%dma_start3A_309 : memref<10000x128xf32, #tpu.memory_space<hbm>>) target(%arg15 : memref<80x128xf32, #tpu.memory_space<vmem>>) offsets(%dma_start3A_306 : memref<80xi32, #tpu.memory_space<vmem>>) semaphore(%arg19 : memref<!tpu.dma_semaphore, #tpu.memory_space<semaphore_mem>>)
      %add3A_310 = arith.constant 3 : i32
      %add3A_311 = arith.addi %add3A_183, %add3A_310 : i32
      %dma_wait3A_312 = arith.constant 0 : i32
      %dma_wait3A_313 = arith.constant 0 : i32
      %dma_wait3A_314 = tpu.memref_slice %arg2[%dma_wait3A_312, %dma_wait3A_313] : memref<10000x128xf32, #tpu.memory_space<hbm>> -> memref<80x128xf32, #tpu.memory_space<hbm>>
      %dma_wait3A_315 = arith.constant 0 : i32
      %dma_wait3A_316 = arith.constant 0 : i32
      %dma_wait3A_317 = tpu.memref_slice %arg2[%dma_wait3A_315, %dma_wait3A_316] : memref<10000x128xf32, #tpu.memory_space<hbm>> -> memref<80x128xf32, #tpu.memory_space<hbm>>
      tpu.wait_dma2 semaphore(%arg20 : memref<!tpu.dma_semaphore, #tpu.memory_space<semaphore_mem>>) src(%dma_wait3A_317 : memref<80x128xf32, #tpu.memory_space<hbm>>) dst(%arg12 : memref<80x128xf32, #tpu.memory_space<vmem>>)
      %dma_wait3A_318 = arith.constant 0 : i32
      %dma_wait3A_319 = arith.constant 0 : i32
      %dma_wait3A_320 = tpu.memref_slice %arg3[%dma_wait3A_318, %dma_wait3A_319] : memref<10000x128xf32, #tpu.memory_space<hbm>> -> memref<80x128xf32, #tpu.memory_space<hbm>>
      %dma_wait3A_321 = arith.constant 0 : i32
      %dma_wait3A_322 = arith.constant 0 : i32
      %dma_wait3A_323 = tpu.memref_slice %arg3[%dma_wait3A_321, %dma_wait3A_322] : memref<10000x128xf32, #tpu.memory_space<hbm>> -> memref<80x128xf32, #tpu.memory_space<hbm>>
      tpu.wait_dma2 semaphore(%arg20 : memref<!tpu.dma_semaphore, #tpu.memory_space<semaphore_mem>>) src(%dma_wait3A_323 : memref<80x128xf32, #tpu.memory_space<hbm>>) dst(%arg16 : memref<80x128xf32, #tpu.memory_space<vmem>>)
      %parallel_loop3A_324 = arith.constant 0 : i32
      %parallel_loop3A_325 = arith.constant 80 : i32
      %parallel_loop3A_326 = arith.constant 1 : i32
      scf.for %parallel_loop3A_352 = %parallel_loop3A_324 to %parallel_loop3A_325 step %parallel_loop3A_326  : i32 {
        %parallel_loop3A_353 = arith.index_cast %parallel_loop3A_352 : i32 to index
        %parallel_loop3A_354 = arith.constant 0 : index
        %parallel_loop3A_355 = tpu.vector_load %arg16[%parallel_loop3A_353, %parallel_loop3A_354] {strides = array<i32>} : memref<80x128xf32, #tpu.memory_space<vmem>>, vector<1x16xf32>,
        %parallel_loop3A_356 = vector.shape_cast %parallel_loop3A_355 : vector<1x16xf32> to vector<16xf32>
        %parallel_loop3A_357 = arith.index_cast %parallel_loop3A_352 : i32 to index
        %parallel_loop3A_358 = arith.constant 0 : index
        %parallel_loop3A_359 = tpu.vector_load %arg12[%parallel_loop3A_357, %parallel_loop3A_358] {strides = array<i32>} : memref<80x128xf32, #tpu.memory_space<vmem>>, vector<1x16xf32>,
        %parallel_loop3A_360 = vector.shape_cast %parallel_loop3A_359 : vector<1x16xf32> to vector<16xf32>
        %parallel_loop3A_361 = vector.shape_cast %parallel_loop3A_356 : vector<16xf32> to vector<1x16xf32>
        tpu.vector_store %arg12[%parallel_loop3A_357, %parallel_loop3A_358], %parallel_loop3A_361 {add = true, strides = array<i32>} : memref<80x128xf32, #tpu.memory_space<vmem>>, vector<1x16xf32>,
        %parallel_loop3A_362 = arith.index_cast %parallel_loop3A_352 : i32 to index
        %parallel_loop3A_363 = arith.constant 16 : index
        %parallel_loop3A_364 = tpu.vector_load %arg16[%parallel_loop3A_362, %parallel_loop3A_363] {strides = array<i32>} : memref<80x128xf32, #tpu.memory_space<vmem>>, vector<1x16xf32>,
        %parallel_loop3A_365 = vector.shape_cast %parallel_loop3A_364 : vector<1x16xf32> to vector<16xf32>
        %parallel_loop3A_366 = arith.index_cast %parallel_loop3A_352 : i32 to index
        %parallel_loop3A_367 = arith.constant 16 : index
        %parallel_loop3A_368 = tpu.vector_load %arg12[%parallel_loop3A_366, %parallel_loop3A_367] {strides = array<i32>} : memref<80x128xf32, #tpu.memory_space<vmem>>, vector<1x16xf32>,
        %parallel_loop3A_369 = vector.shape_cast %parallel_loop3A_368 : vector<1x16xf32> to vector<16xf32>
        %parallel_loop3A_370 = vector.shape_cast %parallel_loop3A_365 : vector<16xf32> to vector<1x16xf32>
        tpu.vector_store %arg12[%parallel_loop3A_366, %parallel_loop3A_367], %parallel_loop3A_370 {add = true, strides = array<i32>} : memref<80x128xf32, #tpu.memory_space<vmem>>, vector<1x16xf32>,
        %parallel_loop3A_371 = arith.index_cast %parallel_loop3A_352 : i32 to index
        %parallel_loop3A_372 = arith.constant 32 : index
        %parallel_loop3A_373 = tpu.vector_load %arg16[%parallel_loop3A_371, %parallel_loop3A_372] {strides = array<i32>} : memref<80x128xf32, #tpu.memory_space<vmem>>, vector<1x16xf32>,
        %parallel_loop3A_374 = vector.shape_cast %parallel_loop3A_373 : vector<1x16xf32> to vector<16xf32>
        %parallel_loop3A_375 = arith.index_cast %parallel_loop3A_352 : i32 to index
        %parallel_loop3A_376 = arith.constant 32 : index
        %parallel_loop3A_377 = tpu.vector_load %arg12[%parallel_loop3A_375, %parallel_loop3A_376] {strides = array<i32>} : memref<80x128xf32, #tpu.memory_space<vmem>>, vector<1x16xf32>,
        %parallel_loop3A_378 = vector.shape_cast %parallel_loop3A_377 : vector<1x16xf32> to vector<16xf32>
        %parallel_loop3A_379 = vector.shape_cast %parallel_loop3A_374 : vector<16xf32> to vector<1x16xf32>
        tpu.vector_store %arg12[%parallel_loop3A_375, %parallel_loop3A_376], %parallel_loop3A_379 {add = true, strides = array<i32>} : memref<80x128xf32, #tpu.memory_space<vmem>>, vector<1x16xf32>,
        %parallel_loop3A_380 = arith.index_cast %parallel_loop3A_352 : i32 to index
        %parallel_loop3A_381 = arith.constant 48 : index
        %parallel_loop3A_382 = tpu.vector_load %arg16[%parallel_loop3A_380, %parallel_loop3A_381] {strides = array<i32>} : memref<80x128xf32, #tpu.memory_space<vmem>>, vector<1x16xf32>,
        %parallel_loop3A_383 = vector.shape_cast %parallel_loop3A_382 : vector<1x16xf32> to vector<16xf32>
        %parallel_loop3A_384 = arith.index_cast %parallel_loop3A_352 : i32 to index
        %parallel_loop3A_385 = arith.constant 48 : index
        %parallel_loop3A_386 = tpu.vector_load %arg12[%parallel_loop3A_384, %parallel_loop3A_385] {strides = array<i32>} : memref<80x128xf32, #tpu.memory_space<vmem>>, vector<1x16xf32>,
        %parallel_loop3A_387 = vector.shape_cast %parallel_loop3A_386 : vector<1x16xf32> to vector<16xf32>
        %parallel_loop3A_388 = vector.shape_cast %parallel_loop3A_383 : vector<16xf32> to vector<1x16xf32>
        tpu.vector_store %arg12[%parallel_loop3A_384, %parallel_loop3A_385], %parallel_loop3A_388 {add = true, strides = array<i32>} : memref<80x128xf32, #tpu.memory_space<vmem>>, vector<1x16xf32>,
        %parallel_loop3A_389 = arith.index_cast %parallel_loop3A_352 : i32 to index
        %parallel_loop3A_390 = arith.constant 64 : index
        %parallel_loop3A_391 = tpu.vector_load %arg16[%parallel_loop3A_389, %parallel_loop3A_390] {strides = array<i32>} : memref<80x128xf32, #tpu.memory_space<vmem>>, vector<1x16xf32>,
        %parallel_loop3A_392 = vector.shape_cast %parallel_loop3A_391 : vector<1x16xf32> to vector<16xf32>
        %parallel_loop3A_393 = arith.index_cast %parallel_loop3A_352 : i32 to index
        %parallel_loop3A_394 = arith.constant 64 : index
        %parallel_loop3A_395 = tpu.vector_load %arg12[%parallel_loop3A_393, %parallel_loop3A_394] {strides = array<i32>} : memref<80x128xf32, #tpu.memory_space<vmem>>, vector<1x16xf32>,
        %parallel_loop3A_396 = vector.shape_cast %parallel_loop3A_395 : vector<1x16xf32> to vector<16xf32>
        %parallel_loop3A_397 = vector.shape_cast %parallel_loop3A_392 : vector<16xf32> to vector<1x16xf32>
        tpu.vector_store %arg12[%parallel_loop3A_393, %parallel_loop3A_394], %parallel_loop3A_397 {add = true, strides = array<i32>} : memref<80x128xf32, #tpu.memory_space<vmem>>, vector<1x16xf32>,
        %parallel_loop3A_398 = arith.index_cast %parallel_loop3A_352 : i32 to index
        %parallel_loop3A_399 = arith.constant 80 : index
        %parallel_loop3A_400 = tpu.vector_load %arg16[%parallel_loop3A_398, %parallel_loop3A_399] {strides = array<i32>} : memref<80x128xf32, #tpu.memory_space<vmem>>, vector<1x16xf32>,
        %parallel_loop3A_401 = vector.shape_cast %parallel_loop3A_400 : vector<1x16xf32> to vector<16xf32>
        %parallel_loop3A_402 = arith.index_cast %parallel_loop3A_352 : i32 to index
        %parallel_loop3A_403 = arith.constant 80 : index
        %parallel_loop3A_404 = tpu.vector_load %arg12[%parallel_loop3A_402, %parallel_loop3A_403] {strides = array<i32>} : memref<80x128xf32, #tpu.memory_space<vmem>>, vector<1x16xf32>,
        %parallel_loop3A_405 = vector.shape_cast %parallel_loop3A_404 : vector<1x16xf32> to vector<16xf32>
        %parallel_loop3A_406 = vector.shape_cast %parallel_loop3A_401 : vector<16xf32> to vector<1x16xf32>
        tpu.vector_store %arg12[%parallel_loop3A_402, %parallel_loop3A_403], %parallel_loop3A_406 {add = true, strides = array<i32>} : memref<80x128xf32, #tpu.memory_space<vmem>>, vector<1x16xf32>,
        %parallel_loop3A_407 = arith.index_cast %parallel_loop3A_352 : i32 to index
        %parallel_loop3A_408 = arith.constant 96 : index
        %parallel_loop3A_409 = tpu.vector_load %arg16[%parallel_loop3A_407, %parallel_loop3A_408] {strides = array<i32>} : memref<80x128xf32, #tpu.memory_space<vmem>>, vector<1x16xf32>,
        %parallel_loop3A_410 = vector.shape_cast %parallel_loop3A_409 : vector<1x16xf32> to vector<16xf32>
        %parallel_loop3A_411 = arith.index_cast %parallel_loop3A_352 : i32 to index
        %parallel_loop3A_412 = arith.constant 96 : index
        %parallel_loop3A_413 = tpu.vector_load %arg12[%parallel_loop3A_411, %parallel_loop3A_412] {strides = array<i32>} : memref<80x128xf32, #tpu.memory_space<vmem>>, vector<1x16xf32>,
        %parallel_loop3A_414 = vector.shape_cast %parallel_loop3A_413 : vector<1x16xf32> to vector<16xf32>
        %parallel_loop3A_415 = vector.shape_cast %parallel_loop3A_410 : vector<16xf32> to vector<1x16xf32>
        tpu.vector_store %arg12[%parallel_loop3A_411, %parallel_loop3A_412], %parallel_loop3A_415 {add = true, strides = array<i32>} : memref<80x128xf32, #tpu.memory_space<vmem>>, vector<1x16xf32>,
        %parallel_loop3A_416 = arith.index_cast %parallel_loop3A_352 : i32 to index
        %parallel_loop3A_417 = arith.constant 112 : index
        %parallel_loop3A_418 = tpu.vector_load %arg16[%parallel_loop3A_416, %parallel_loop3A_417] {strides = array<i32>} : memref<80x128xf32, #tpu.memory_space<vmem>>, vector<1x16xf32>,
        %parallel_loop3A_419 = vector.shape_cast %parallel_loop3A_418 : vector<1x16xf32> to vector<16xf32>
        %parallel_loop3A_420 = arith.index_cast %parallel_loop3A_352 : i32 to index
        %parallel_loop3A_421 = arith.constant 112 : index
        %parallel_loop3A_422 = tpu.vector_load %arg12[%parallel_loop3A_420, %parallel_loop3A_421] {strides = array<i32>} : memref<80x128xf32, #tpu.memory_space<vmem>>, vector<1x16xf32>,
        %parallel_loop3A_423 = vector.shape_cast %parallel_loop3A_422 : vector<1x16xf32> to vector<16xf32>
        %parallel_loop3A_424 = vector.shape_cast %parallel_loop3A_419 : vector<16xf32> to vector<1x16xf32>
        tpu.vector_store %arg12[%parallel_loop3A_420, %parallel_loop3A_421], %parallel_loop3A_424 {add = true, strides = array<i32>} : memref<80x128xf32, #tpu.memory_space<vmem>>, vector<1x16xf32>,
      } {sc.loop_unroll_factor = 2 : i64, sc.parallel_access}
      %mul3A_327 = arith.constant 80 : i32
      %mul3A_328 = arith.muli %add3A_311, %mul3A_327 : i32
      %add3A_329 = arith.addi %mul3A_2, %mul3A_328 : i32
      %dma_start3A_330 = arith.constant 0 : i32
      %dma_start3A_331 = tpu.memref_slice %arg6[%add3A_329, %dma_start3A_330] : memref<320000x128xf32, #tpu.memory_space<hbm>> -> memref<80x128xf32, #tpu.memory_space<hbm>>
      %dma_start3A_332 = arith.constant 0 : i32
      %dma_start3A_333 = tpu.memref_slice %arg6[%add3A_329, %dma_start3A_332] : memref<320000x128xf32, #tpu.memory_space<hbm>> -> memref<80x128xf32, #tpu.memory_space<hbm>>
      tpu.enqueue_dma source(%arg12 : memref<80x128xf32, #tpu.memory_space<vmem>>) target(%dma_start3A_333 : memref<80x128xf32, #tpu.memory_space<hbm>>) target_semaphore(%arg24 : memref<!tpu.dma_semaphore, #tpu.memory_space<semaphore_mem>>)
      %add3A_334 = arith.constant 4 : i32
      %add3A_335 = arith.addi %add3A_183, %add3A_334 : i32
      %add3A_336 = arith.constant 3 : i32
      %add3A_337 = arith.addi %add3A_335, %add3A_336 : i32
      %mul3A_338 = arith.constant 80 : i32
      %mul3A_339 = arith.muli %add3A_337, %mul3A_338 : i32
      %dma_wait3A_340 = arith.constant 0 : i32
      %dma_wait3A_341 = tpu.memref_slice %arg6[%mul3A_2, %dma_wait3A_340] : memref<320000x128xf32, #tpu.memory_space<hbm>> -> memref<80x128xf32, #tpu.memory_space<hbm>>
      %dma_wait3A_342 = arith.constant 0 : i32
      %dma_wait3A_343 = tpu.memref_slice %arg6[%mul3A_2, %dma_wait3A_342] : memref<320000x128xf32, #tpu.memory_space<hbm>> -> memref<80x128xf32, #tpu.memory_space<hbm>>
      tpu.wait_dma2 semaphore(%arg24 : memref<!tpu.dma_semaphore, #tpu.memory_space<semaphore_mem>>) src(%arg12 : memref<80x128xf32, #tpu.memory_space<vmem>>) dst(%dma_wait3A_343 : memref<80x128xf32, #tpu.memory_space<hbm>>)
      %dma_start3A_344 = tpu.memref_slice %arg7[%mul3A_339] : memref<10000xi32, #tpu.memory_space<vmem>> -> memref<80xi32, #tpu.memory_space<vmem>>
      %dma_start3A_345 = arith.constant 0 : i32
      %dma_start3A_346 = arith.constant 0 : i32
      %dma_start3A_347 = tpu.memref_slice %arg2[%dma_start3A_345, %dma_start3A_346] : memref<10000x128xf32, #tpu.memory_space<hbm>> -> memref<10000x128xf32, #tpu.memory_space<hbm>>
      tpu.enqueue_indirect_dma source(%dma_start3A_347 : memref<10000x128xf32, #tpu.memory_space<hbm>>) target(%arg12 : memref<80x128xf32, #tpu.memory_space<vmem>>) offsets(%dma_start3A_344 : memref<80xi32, #tpu.memory_space<vmem>>) semaphore(%arg20 : memref<!tpu.dma_semaphore, #tpu.memory_space<semaphore_mem>>)
      %dma_start3A_348 = tpu.memref_slice %arg8[%mul3A_339] : memref<10000xi32, #tpu.memory_space<vmem>> -> memref<80xi32, #tpu.memory_space<vmem>>
      %dma_start3A_349 = arith.constant 0 : i32
      %dma_start3A_350 = arith.constant 0 : i32
      %dma_start3A_351 = tpu.memref_slice %arg3[%dma_start3A_349, %dma_start3A_350] : memref<10000x128xf32, #tpu.memory_space<hbm>> -> memref<10000x128xf32, #tpu.memory_space<hbm>>
      tpu.enqueue_indirect_dma source(%dma_start3A_351 : memref<10000x128xf32, #tpu.memory_space<hbm>>) target(%arg16 : memref<80x128xf32, #tpu.memory_space<vmem>>) offsets(%dma_start3A_348 : memref<80xi32, #tpu.memory_space<vmem>>) semaphore(%arg20 : memref<!tpu.dma_semaphore, #tpu.memory_space<semaphore_mem>>)
    }
    %scan3A_45 = arith.constant 30 : i32
    %dma_wait3A = arith.constant 0 : i32
    %dma_wait3A_46 = arith.constant 0 : i32
    %dma_wait3A_47 = tpu.memref_slice %arg2[%dma_wait3A, %dma_wait3A_46] : memref<10000x128xf32, #tpu.memory_space<hbm>> -> memref<80x128xf32, #tpu.memory_space<hbm>>
    %dma_wait3A_48 = arith.constant 0 : i32
    %dma_wait3A_49 = arith.constant 0 : i32
    %dma_wait3A_50 = tpu.memref_slice %arg2[%dma_wait3A_48, %dma_wait3A_49] : memref<10000x128xf32, #tpu.memory_space<hbm>> -> memref<80x128xf32, #tpu.memory_space<hbm>>
    tpu.wait_dma2 semaphore(%arg17 : memref<!tpu.dma_semaphore, #tpu.memory_space<semaphore_mem>>) src(%dma_wait3A_50 : memref<80x128xf32, #tpu.memory_space<hbm>>) dst(%arg9 : memref<80x128xf32, #tpu.memory_space<vmem>>)
    %dma_wait3A_51 = arith.constant 0 : i32
    %dma_wait3A_52 = arith.constant 0 : i32
    %dma_wait3A_53 = tpu.memref_slice %arg3[%dma_wait3A_51, %dma_wait3A_52] : memref<10000x128xf32, #tpu.memory_space<hbm>> -> memref<80x128xf32, #tpu.memory_space<hbm>>
    %dma_wait3A_54 = arith.constant 0 : i32
    %dma_wait3A_55 = arith.constant 0 : i32
    %dma_wait3A_56 = tpu.memref_slice %arg3[%dma_wait3A_54, %dma_wait3A_55] : memref<10000x128xf32, #tpu.memory_space<hbm>> -> memref<80x128xf32, #tpu.memory_space<hbm>>
    tpu.wait_dma2 semaphore(%arg17 : memref<!tpu.dma_semaphore, #tpu.memory_space<semaphore_mem>>) src(%dma_wait3A_56 : memref<80x128xf32, #tpu.memory_space<hbm>>) dst(%arg13 : memref<80x128xf32, #tpu.memory_space<vmem>>)
    %parallel_loop3A = arith.constant 0 : i32
    %parallel_loop3A_57 = arith.constant 80 : i32
    %parallel_loop3A_58 = arith.constant 1 : i32
    scf.for %parallel_loop3A_179 = %parallel_loop3A to %parallel_loop3A_57 step %parallel_loop3A_58  : i32 {
      %parallel_loop3A_180 = arith.index_cast %parallel_loop3A_179 : i32 to index
      %parallel_loop3A_181 = arith.constant 0 : index
      %parallel_loop3A_182 = tpu.vector_load %arg13[%parallel_loop3A_180, %parallel_loop3A_181] {strides = array<i32>} : memref<80x128xf32, #tpu.memory_space<vmem>>, vector<1x16xf32>,
      %parallel_loop3A_183 = vector.shape_cast %parallel_loop3A_182 : vector<1x16xf32> to vector<16xf32>
      %parallel_loop3A_184 = arith.index_cast %parallel_loop3A_179 : i32 to index
      %parallel_loop3A_185 = arith.constant 0 : index
      %parallel_loop3A_186 = tpu.vector_load %arg9[%parallel_loop3A_184, %parallel_loop3A_185] {strides = array<i32>} : memref<80x128xf32, #tpu.memory_space<vmem>>, vector<1x16xf32>,
      %parallel_loop3A_187 = vector.shape_cast %parallel_loop3A_186 : vector<1x16xf32> to vector<16xf32>
      %parallel_loop3A_188 = vector.shape_cast %parallel_loop3A_183 : vector<16xf32> to vector<1x16xf32>
      tpu.vector_store %arg9[%parallel_loop3A_184, %parallel_loop3A_185], %parallel_loop3A_188 {add = true, strides = array<i32>} : memref<80x128xf32, #tpu.memory_space<vmem>>, vector<1x16xf32>,
      %parallel_loop3A_189 = arith.index_cast %parallel_loop3A_179 : i32 to index
      %parallel_loop3A_190 = arith.constant 16 : index
      %parallel_loop3A_191 = tpu.vector_load %arg13[%parallel_loop3A_189, %parallel_loop3A_190] {strides = array<i32>} : memref<80x128xf32, #tpu.memory_space<vmem>>, vector<1x16xf32>,
      %parallel_loop3A_192 = vector.shape_cast %parallel_loop3A_191 : vector<1x16xf32> to vector<16xf32>
      %parallel_loop3A_193 = arith.index_cast %parallel_loop3A_179 : i32 to index
      %parallel_loop3A_194 = arith.constant 16 : index
      %parallel_loop3A_195 = tpu.vector_load %arg9[%parallel_loop3A_193, %parallel_loop3A_194] {strides = array<i32>} : memref<80x128xf32, #tpu.memory_space<vmem>>, vector<1x16xf32>,
      %parallel_loop3A_196 = vector.shape_cast %parallel_loop3A_195 : vector<1x16xf32> to vector<16xf32>
      %parallel_loop3A_197 = vector.shape_cast %parallel_loop3A_192 : vector<16xf32> to vector<1x16xf32>
      tpu.vector_store %arg9[%parallel_loop3A_193, %parallel_loop3A_194], %parallel_loop3A_197 {add = true, strides = array<i32>} : memref<80x128xf32, #tpu.memory_space<vmem>>, vector<1x16xf32>,
      %parallel_loop3A_198 = arith.index_cast %parallel_loop3A_179 : i32 to index
      %parallel_loop3A_199 = arith.constant 32 : index
      %parallel_loop3A_200 = tpu.vector_load %arg13[%parallel_loop3A_198, %parallel_loop3A_199] {strides = array<i32>} : memref<80x128xf32, #tpu.memory_space<vmem>>, vector<1x16xf32>,
      %parallel_loop3A_201 = vector.shape_cast %parallel_loop3A_200 : vector<1x16xf32> to vector<16xf32>
      %parallel_loop3A_202 = arith.index_cast %parallel_loop3A_179 : i32 to index
      %parallel_loop3A_203 = arith.constant 32 : index
      %parallel_loop3A_204 = tpu.vector_load %arg9[%parallel_loop3A_202, %parallel_loop3A_203] {strides = array<i32>} : memref<80x128xf32, #tpu.memory_space<vmem>>, vector<1x16xf32>,
      %parallel_loop3A_205 = vector.shape_cast %parallel_loop3A_204 : vector<1x16xf32> to vector<16xf32>
      %parallel_loop3A_206 = vector.shape_cast %parallel_loop3A_201 : vector<16xf32> to vector<1x16xf32>
      tpu.vector_store %arg9[%parallel_loop3A_202, %parallel_loop3A_203], %parallel_loop3A_206 {add = true, strides = array<i32>} : memref<80x128xf32, #tpu.memory_space<vmem>>, vector<1x16xf32>,
      %parallel_loop3A_207 = arith.index_cast %parallel_loop3A_179 : i32 to index
      %parallel_loop3A_208 = arith.constant 48 : index
      %parallel_loop3A_209 = tpu.vector_load %arg13[%parallel_loop3A_207, %parallel_loop3A_208] {strides = array<i32>} : memref<80x128xf32, #tpu.memory_space<vmem>>, vector<1x16xf32>,
      %parallel_loop3A_210 = vector.shape_cast %parallel_loop3A_209 : vector<1x16xf32> to vector<16xf32>
      %parallel_loop3A_211 = arith.index_cast %parallel_loop3A_179 : i32 to index
      %parallel_loop3A_212 = arith.constant 48 : index
      %parallel_loop3A_213 = tpu.vector_load %arg9[%parallel_loop3A_211, %parallel_loop3A_212] {strides = array<i32>} : memref<80x128xf32, #tpu.memory_space<vmem>>, vector<1x16xf32>,
      %parallel_loop3A_214 = vector.shape_cast %parallel_loop3A_213 : vector<1x16xf32> to vector<16xf32>
      %parallel_loop3A_215 = vector.shape_cast %parallel_loop3A_210 : vector<16xf32> to vector<1x16xf32>
      tpu.vector_store %arg9[%parallel_loop3A_211, %parallel_loop3A_212], %parallel_loop3A_215 {add = true, strides = array<i32>} : memref<80x128xf32, #tpu.memory_space<vmem>>, vector<1x16xf32>,
      %parallel_loop3A_216 = arith.index_cast %parallel_loop3A_179 : i32 to index
      %parallel_loop3A_217 = arith.constant 64 : index
      %parallel_loop3A_218 = tpu.vector_load %arg13[%parallel_loop3A_216, %parallel_loop3A_217] {strides = array<i32>} : memref<80x128xf32, #tpu.memory_space<vmem>>, vector<1x16xf32>,
      %parallel_loop3A_219 = vector.shape_cast %parallel_loop3A_218 : vector<1x16xf32> to vector<16xf32>
      %parallel_loop3A_220 = arith.index_cast %parallel_loop3A_179 : i32 to index
      %parallel_loop3A_221 = arith.constant 64 : index
      %parallel_loop3A_222 = tpu.vector_load %arg9[%parallel_loop3A_220, %parallel_loop3A_221] {strides = array<i32>} : memref<80x128xf32, #tpu.memory_space<vmem>>, vector<1x16xf32>,
      %parallel_loop3A_223 = vector.shape_cast %parallel_loop3A_222 : vector<1x16xf32> to vector<16xf32>
      %parallel_loop3A_224 = vector.shape_cast %parallel_loop3A_219 : vector<16xf32> to vector<1x16xf32>
      tpu.vector_store %arg9[%parallel_loop3A_220, %parallel_loop3A_221], %parallel_loop3A_224 {add = true, strides = array<i32>} : memref<80x128xf32, #tpu.memory_space<vmem>>, vector<1x16xf32>,
      %parallel_loop3A_225 = arith.index_cast %parallel_loop3A_179 : i32 to index
      %parallel_loop3A_226 = arith.constant 80 : index
      %parallel_loop3A_227 = tpu.vector_load %arg13[%parallel_loop3A_225, %parallel_loop3A_226] {strides = array<i32>} : memref<80x128xf32, #tpu.memory_space<vmem>>, vector<1x16xf32>,
      %parallel_loop3A_228 = vector.shape_cast %parallel_loop3A_227 : vector<1x16xf32> to vector<16xf32>
      %parallel_loop3A_229 = arith.index_cast %parallel_loop3A_179 : i32 to index
      %parallel_loop3A_230 = arith.constant 80 : index
      %parallel_loop3A_231 = tpu.vector_load %arg9[%parallel_loop3A_229, %parallel_loop3A_230] {strides = array<i32>} : memref<80x128xf32, #tpu.memory_space<vmem>>, vector<1x16xf32>,
      %parallel_loop3A_232 = vector.shape_cast %parallel_loop3A_231 : vector<1x16xf32> to vector<16xf32>
      %parallel_loop3A_233 = vector.shape_cast %parallel_loop3A_228 : vector<16xf32> to vector<1x16xf32>
      tpu.vector_store %arg9[%parallel_loop3A_229, %parallel_loop3A_230], %parallel_loop3A_233 {add = true, strides = array<i32>} : memref<80x128xf32, #tpu.memory_space<vmem>>, vector<1x16xf32>,
      %parallel_loop3A_234 = arith.index_cast %parallel_loop3A_179 : i32 to index
      %parallel_loop3A_235 = arith.constant 96 : index
      %parallel_loop3A_236 = tpu.vector_load %arg13[%parallel_loop3A_234, %parallel_loop3A_235] {strides = array<i32>} : memref<80x128xf32, #tpu.memory_space<vmem>>, vector<1x16xf32>,
      %parallel_loop3A_237 = vector.shape_cast %parallel_loop3A_236 : vector<1x16xf32> to vector<16xf32>
      %parallel_loop3A_238 = arith.index_cast %parallel_loop3A_179 : i32 to index
      %parallel_loop3A_239 = arith.constant 96 : index
      %parallel_loop3A_240 = tpu.vector_load %arg9[%parallel_loop3A_238, %parallel_loop3A_239] {strides = array<i32>} : memref<80x128xf32, #tpu.memory_space<vmem>>, vector<1x16xf32>,
      %parallel_loop3A_241 = vector.shape_cast %parallel_loop3A_240 : vector<1x16xf32> to vector<16xf32>
      %parallel_loop3A_242 = vector.shape_cast %parallel_loop3A_237 : vector<16xf32> to vector<1x16xf32>
      tpu.vector_store %arg9[%parallel_loop3A_238, %parallel_loop3A_239], %parallel_loop3A_242 {add = true, strides = array<i32>} : memref<80x128xf32, #tpu.memory_space<vmem>>, vector<1x16xf32>,
      %parallel_loop3A_243 = arith.index_cast %parallel_loop3A_179 : i32 to index
      %parallel_loop3A_244 = arith.constant 112 : index
      %parallel_loop3A_245 = tpu.vector_load %arg13[%parallel_loop3A_243, %parallel_loop3A_244] {strides = array<i32>} : memref<80x128xf32, #tpu.memory_space<vmem>>, vector<1x16xf32>,
      %parallel_loop3A_246 = vector.shape_cast %parallel_loop3A_245 : vector<1x16xf32> to vector<16xf32>
      %parallel_loop3A_247 = arith.index_cast %parallel_loop3A_179 : i32 to index
      %parallel_loop3A_248 = arith.constant 112 : index
      %parallel_loop3A_249 = tpu.vector_load %arg9[%parallel_loop3A_247, %parallel_loop3A_248] {strides = array<i32>} : memref<80x128xf32, #tpu.memory_space<vmem>>, vector<1x16xf32>,
      %parallel_loop3A_250 = vector.shape_cast %parallel_loop3A_249 : vector<1x16xf32> to vector<16xf32>
      %parallel_loop3A_251 = vector.shape_cast %parallel_loop3A_246 : vector<16xf32> to vector<1x16xf32>
      tpu.vector_store %arg9[%parallel_loop3A_247, %parallel_loop3A_248], %parallel_loop3A_251 {add = true, strides = array<i32>} : memref<80x128xf32, #tpu.memory_space<vmem>>, vector<1x16xf32>,
    } {sc.loop_unroll_factor = 2 : i64, sc.parallel_access}
    %add3A_59 = arith.constant 9600 : i32
    %add3A_60 = arith.addi %mul3A_2, %add3A_59 : i32
    %dma_start3A_61 = arith.constant 0 : i32
    %dma_start3A_62 = tpu.memref_slice %arg6[%add3A_60, %dma_start3A_61] : memref<320000x128xf32, #tpu.memory_space<hbm>> -> memref<80x128xf32, #tpu.memory_space<hbm>>
    %dma_start3A_63 = arith.constant 0 : i32
    %dma_start3A_64 = tpu.memref_slice %arg6[%add3A_60, %dma_start3A_63] : memref<320000x128xf32, #tpu.memory_space<hbm>> -> memref<80x128xf32, #tpu.memory_space<hbm>>
    tpu.enqueue_dma source(%arg9 : memref<80x128xf32, #tpu.memory_space<vmem>>) target(%dma_start3A_64 : memref<80x128xf32, #tpu.memory_space<hbm>>) target_semaphore(%arg21 : memref<!tpu.dma_semaphore, #tpu.memory_space<semaphore_mem>>)
    %dma_wait3A_65 = arith.constant 0 : i32
    %dma_wait3A_66 = arith.constant 0 : i32
    %dma_wait3A_67 = tpu.memref_slice %arg2[%dma_wait3A_65, %dma_wait3A_66] : memref<10000x128xf32, #tpu.memory_space<hbm>> -> memref<80x128xf32, #tpu.memory_space<hbm>>
    %dma_wait3A_68 = arith.constant 0 : i32
    %dma_wait3A_69 = arith.constant 0 : i32
    %dma_wait3A_70 = tpu.memref_slice %arg2[%dma_wait3A_68, %dma_wait3A_69] : memref<10000x128xf32, #tpu.memory_space<hbm>> -> memref<80x128xf32, #tpu.memory_space<hbm>>
    tpu.wait_dma2 semaphore(%arg18 : memref<!tpu.dma_semaphore, #tpu.memory_space<semaphore_mem>>) src(%dma_wait3A_70 : memref<80x128xf32, #tpu.memory_space<hbm>>) dst(%arg10 : memref<80x128xf32, #tpu.memory_space<vmem>>)
    %dma_wait3A_71 = arith.constant 0 : i32
    %dma_wait3A_72 = arith.constant 0 : i32
    %dma_wait3A_73 = tpu.memref_slice %arg3[%dma_wait3A_71, %dma_wait3A_72] : memref<10000x128xf32, #tpu.memory_space<hbm>> -> memref<80x128xf32, #tpu.memory_space<hbm>>
    %dma_wait3A_74 = arith.constant 0 : i32
    %dma_wait3A_75 = arith.constant 0 : i32
    %dma_wait3A_76 = tpu.memref_slice %arg3[%dma_wait3A_74, %dma_wait3A_75] : memref<10000x128xf32, #tpu.memory_space<hbm>> -> memref<80x128xf32, #tpu.memory_space<hbm>>
    tpu.wait_dma2 semaphore(%arg18 : memref<!tpu.dma_semaphore, #tpu.memory_space<semaphore_mem>>) src(%dma_wait3A_76 : memref<80x128xf32, #tpu.memory_space<hbm>>) dst(%arg14 : memref<80x128xf32, #tpu.memory_space<vmem>>)
    %parallel_loop3A_77 = arith.constant 0 : i32
    %parallel_loop3A_78 = arith.constant 80 : i32
    %parallel_loop3A_79 = arith.constant 1 : i32
    scf.for %parallel_loop3A_179 = %parallel_loop3A_77 to %parallel_loop3A_78 step %parallel_loop3A_79  : i32 {
      %parallel_loop3A_180 = arith.index_cast %parallel_loop3A_179 : i32 to index
      %parallel_loop3A_181 = arith.constant 0 : index
      %parallel_loop3A_182 = tpu.vector_load %arg14[%parallel_loop3A_180, %parallel_loop3A_181] {strides = array<i32>} : memref<80x128xf32, #tpu.memory_space<vmem>>, vector<1x16xf32>,
      %parallel_loop3A_183 = vector.shape_cast %parallel_loop3A_182 : vector<1x16xf32> to vector<16xf32>
      %parallel_loop3A_184 = arith.index_cast %parallel_loop3A_179 : i32 to index
      %parallel_loop3A_185 = arith.constant 0 : index
      %parallel_loop3A_186 = tpu.vector_load %arg10[%parallel_loop3A_184, %parallel_loop3A_185] {strides = array<i32>} : memref<80x128xf32, #tpu.memory_space<vmem>>, vector<1x16xf32>,
      %parallel_loop3A_187 = vector.shape_cast %parallel_loop3A_186 : vector<1x16xf32> to vector<16xf32>
      %parallel_loop3A_188 = vector.shape_cast %parallel_loop3A_183 : vector<16xf32> to vector<1x16xf32>
      tpu.vector_store %arg10[%parallel_loop3A_184, %parallel_loop3A_185], %parallel_loop3A_188 {add = true, strides = array<i32>} : memref<80x128xf32, #tpu.memory_space<vmem>>, vector<1x16xf32>,
      %parallel_loop3A_189 = arith.index_cast %parallel_loop3A_179 : i32 to index
      %parallel_loop3A_190 = arith.constant 16 : index
      %parallel_loop3A_191 = tpu.vector_load %arg14[%parallel_loop3A_189, %parallel_loop3A_190] {strides = array<i32>} : memref<80x128xf32, #tpu.memory_space<vmem>>, vector<1x16xf32>,
      %parallel_loop3A_192 = vector.shape_cast %parallel_loop3A_191 : vector<1x16xf32> to vector<16xf32>
      %parallel_loop3A_193 = arith.index_cast %parallel_loop3A_179 : i32 to index
      %parallel_loop3A_194 = arith.constant 16 : index
      %parallel_loop3A_195 = tpu.vector_load %arg10[%parallel_loop3A_193, %parallel_loop3A_194] {strides = array<i32>} : memref<80x128xf32, #tpu.memory_space<vmem>>, vector<1x16xf32>,
      %parallel_loop3A_196 = vector.shape_cast %parallel_loop3A_195 : vector<1x16xf32> to vector<16xf32>
      %parallel_loop3A_197 = vector.shape_cast %parallel_loop3A_192 : vector<16xf32> to vector<1x16xf32>
      tpu.vector_store %arg10[%parallel_loop3A_193, %parallel_loop3A_194], %parallel_loop3A_197 {add = true, strides = array<i32>} : memref<80x128xf32, #tpu.memory_space<vmem>>, vector<1x16xf32>,
      %parallel_loop3A_198 = arith.index_cast %parallel_loop3A_179 : i32 to index
      %parallel_loop3A_199 = arith.constant 32 : index
      %parallel_loop3A_200 = tpu.vector_load %arg14[%parallel_loop3A_198, %parallel_loop3A_199] {strides = array<i32>} : memref<80x128xf32, #tpu.memory_space<vmem>>, vector<1x16xf32>,
      %parallel_loop3A_201 = vector.shape_cast %parallel_loop3A_200 : vector<1x16xf32> to vector<16xf32>
      %parallel_loop3A_202 = arith.index_cast %parallel_loop3A_179 : i32 to index
      %parallel_loop3A_203 = arith.constant 32 : index
      %parallel_loop3A_204 = tpu.vector_load %arg10[%parallel_loop3A_202, %parallel_loop3A_203] {strides = array<i32>} : memref<80x128xf32, #tpu.memory_space<vmem>>, vector<1x16xf32>,
      %parallel_loop3A_205 = vector.shape_cast %parallel_loop3A_204 : vector<1x16xf32> to vector<16xf32>
      %parallel_loop3A_206 = vector.shape_cast %parallel_loop3A_201 : vector<16xf32> to vector<1x16xf32>
      tpu.vector_store %arg10[%parallel_loop3A_202, %parallel_loop3A_203], %parallel_loop3A_206 {add = true, strides = array<i32>} : memref<80x128xf32, #tpu.memory_space<vmem>>, vector<1x16xf32>,
      %parallel_loop3A_207 = arith.index_cast %parallel_loop3A_179 : i32 to index
      %parallel_loop3A_208 = arith.constant 48 : index
      %parallel_loop3A_209 = tpu.vector_load %arg14[%parallel_loop3A_207, %parallel_loop3A_208] {strides = array<i32>} : memref<80x128xf32, #tpu.memory_space<vmem>>, vector<1x16xf32>,
      %parallel_loop3A_210 = vector.shape_cast %parallel_loop3A_209 : vector<1x16xf32> to vector<16xf32>
      %parallel_loop3A_211 = arith.index_cast %parallel_loop3A_179 : i32 to index
      %parallel_loop3A_212 = arith.constant 48 : index
      %parallel_loop3A_213 = tpu.vector_load %arg10[%parallel_loop3A_211, %parallel_loop3A_212] {strides = array<i32>} : memref<80x128xf32, #tpu.memory_space<vmem>>, vector<1x16xf32>,
      %parallel_loop3A_214 = vector.shape_cast %parallel_loop3A_213 : vector<1x16xf32> to vector<16xf32>
      %parallel_loop3A_215 = vector.shape_cast %parallel_loop3A_210 : vector<16xf32> to vector<1x16xf32>
      tpu.vector_store %arg10[%parallel_loop3A_211, %parallel_loop3A_212], %parallel_loop3A_215 {add = true, strides = array<i32>} : memref<80x128xf32, #tpu.memory_space<vmem>>, vector<1x16xf32>,
      %parallel_loop3A_216 = arith.index_cast %parallel_loop3A_179 : i32 to index
      %parallel_loop3A_217 = arith.constant 64 : index
      %parallel_loop3A_218 = tpu.vector_load %arg14[%parallel_loop3A_216, %parallel_loop3A_217] {strides = array<i32>} : memref<80x128xf32, #tpu.memory_space<vmem>>, vector<1x16xf32>,
      %parallel_loop3A_219 = vector.shape_cast %parallel_loop3A_218 : vector<1x16xf32> to vector<16xf32>
      %parallel_loop3A_220 = arith.index_cast %parallel_loop3A_179 : i32 to index
      %parallel_loop3A_221 = arith.constant 64 : index
      %parallel_loop3A_222 = tpu.vector_load %arg10[%parallel_loop3A_220, %parallel_loop3A_221] {strides = array<i32>} : memref<80x128xf32, #tpu.memory_space<vmem>>, vector<1x16xf32>,
      %parallel_loop3A_223 = vector.shape_cast %parallel_loop3A_222 : vector<1x16xf32> to vector<16xf32>
      %parallel_loop3A_224 = vector.shape_cast %parallel_loop3A_219 : vector<16xf32> to vector<1x16xf32>
      tpu.vector_store %arg10[%parallel_loop3A_220, %parallel_loop3A_221], %parallel_loop3A_224 {add = true, strides = array<i32>} : memref<80x128xf32, #tpu.memory_space<vmem>>, vector<1x16xf32>,
      %parallel_loop3A_225 = arith.index_cast %parallel_loop3A_179 : i32 to index
      %parallel_loop3A_226 = arith.constant 80 : index
      %parallel_loop3A_227 = tpu.vector_load %arg14[%parallel_loop3A_225, %parallel_loop3A_226] {strides = array<i32>} : memref<80x128xf32, #tpu.memory_space<vmem>>, vector<1x16xf32>,
      %parallel_loop3A_228 = vector.shape_cast %parallel_loop3A_227 : vector<1x16xf32> to vector<16xf32>
      %parallel_loop3A_229 = arith.index_cast %parallel_loop3A_179 : i32 to index
      %parallel_loop3A_230 = arith.constant 80 : index
      %parallel_loop3A_231 = tpu.vector_load %arg10[%parallel_loop3A_229, %parallel_loop3A_230] {strides = array<i32>} : memref<80x128xf32, #tpu.memory_space<vmem>>, vector<1x16xf32>,
      %parallel_loop3A_232 = vector.shape_cast %parallel_loop3A_231 : vector<1x16xf32> to vector<16xf32>
      %parallel_loop3A_233 = vector.shape_cast %parallel_loop3A_228 : vector<16xf32> to vector<1x16xf32>
      tpu.vector_store %arg10[%parallel_loop3A_229, %parallel_loop3A_230], %parallel_loop3A_233 {add = true, strides = array<i32>} : memref<80x128xf32, #tpu.memory_space<vmem>>, vector<1x16xf32>,
      %parallel_loop3A_234 = arith.index_cast %parallel_loop3A_179 : i32 to index
      %parallel_loop3A_235 = arith.constant 96 : index
      %parallel_loop3A_236 = tpu.vector_load %arg14[%parallel_loop3A_234, %parallel_loop3A_235] {strides = array<i32>} : memref<80x128xf32, #tpu.memory_space<vmem>>, vector<1x16xf32>,
      %parallel_loop3A_237 = vector.shape_cast %parallel_loop3A_236 : vector<1x16xf32> to vector<16xf32>
      %parallel_loop3A_238 = arith.index_cast %parallel_loop3A_179 : i32 to index
      %parallel_loop3A_239 = arith.constant 96 : index
      %parallel_loop3A_240 = tpu.vector_load %arg10[%parallel_loop3A_238, %parallel_loop3A_239] {strides = array<i32>} : memref<80x128xf32, #tpu.memory_space<vmem>>, vector<1x16xf32>,
      %parallel_loop3A_241 = vector.shape_cast %parallel_loop3A_240 : vector<1x16xf32> to vector<16xf32>
      %parallel_loop3A_242 = vector.shape_cast %parallel_loop3A_237 : vector<16xf32> to vector<1x16xf32>
      tpu.vector_store %arg10[%parallel_loop3A_238, %parallel_loop3A_239], %parallel_loop3A_242 {add = true, strides = array<i32>} : memref<80x128xf32, #tpu.memory_space<vmem>>, vector<1x16xf32>,
      %parallel_loop3A_243 = arith.index_cast %parallel_loop3A_179 : i32 to index
      %parallel_loop3A_244 = arith.constant 112 : index
      %parallel_loop3A_245 = tpu.vector_load %arg14[%parallel_loop3A_243, %parallel_loop3A_244] {strides = array<i32>} : memref<80x128xf32, #tpu.memory_space<vmem>>, vector<1x16xf32>,
      %parallel_loop3A_246 = vector.shape_cast %parallel_loop3A_245 : vector<1x16xf32> to vector<16xf32>
      %parallel_loop3A_247 = arith.index_cast %parallel_loop3A_179 : i32 to index
      %parallel_loop3A_248 = arith.constant 112 : index
      %parallel_loop3A_249 = tpu.vector_load %arg10[%parallel_loop3A_247, %parallel_loop3A_248] {strides = array<i32>} : memref<80x128xf32, #tpu.memory_space<vmem>>, vector<1x16xf32>,
      %parallel_loop3A_250 = vector.shape_cast %parallel_loop3A_249 : vector<1x16xf32> to vector<16xf32>
      %parallel_loop3A_251 = vector.shape_cast %parallel_loop3A_246 : vector<16xf32> to vector<1x16xf32>
      tpu.vector_store %arg10[%parallel_loop3A_247, %parallel_loop3A_248], %parallel_loop3A_251 {add = true, strides = array<i32>} : memref<80x128xf32, #tpu.memory_space<vmem>>, vector<1x16xf32>,
    } {sc.loop_unroll_factor = 2 : i64, sc.parallel_access}
    %add3A_80 = arith.constant 9680 : i32
    %add3A_81 = arith.addi %mul3A_2, %add3A_80 : i32
    %dma_start3A_82 = arith.constant 0 : i32
    %dma_start3A_83 = tpu.memref_slice %arg6[%add3A_81, %dma_start3A_82] : memref<320000x128xf32, #tpu.memory_space<hbm>> -> memref<80x128xf32, #tpu.memory_space<hbm>>
    %dma_start3A_84 = arith.constant 0 : i32
    %dma_start3A_85 = tpu.memref_slice %arg6[%add3A_81, %dma_start3A_84] : memref<320000x128xf32, #tpu.memory_space<hbm>> -> memref<80x128xf32, #tpu.memory_space<hbm>>
    tpu.enqueue_dma source(%arg10 : memref<80x128xf32, #tpu.memory_space<vmem>>) target(%dma_start3A_85 : memref<80x128xf32, #tpu.memory_space<hbm>>) target_semaphore(%arg22 : memref<!tpu.dma_semaphore, #tpu.memory_space<semaphore_mem>>)
    %dma_wait3A_86 = arith.constant 0 : i32
    %dma_wait3A_87 = arith.constant 0 : i32
    %dma_wait3A_88 = tpu.memref_slice %arg2[%dma_wait3A_86, %dma_wait3A_87] : memref<10000x128xf32, #tpu.memory_space<hbm>> -> memref<80x128xf32, #tpu.memory_space<hbm>>
    %dma_wait3A_89 = arith.constant 0 : i32
    %dma_wait3A_90 = arith.constant 0 : i32
    %dma_wait3A_91 = tpu.memref_slice %arg2[%dma_wait3A_89, %dma_wait3A_90] : memref<10000x128xf32, #tpu.memory_space<hbm>> -> memref<80x128xf32, #tpu.memory_space<hbm>>
    tpu.wait_dma2 semaphore(%arg19 : memref<!tpu.dma_semaphore, #tpu.memory_space<semaphore_mem>>) src(%dma_wait3A_91 : memref<80x128xf32, #tpu.memory_space<hbm>>) dst(%arg11 : memref<80x128xf32, #tpu.memory_space<vmem>>)
    %dma_wait3A_92 = arith.constant 0 : i32
    %dma_wait3A_93 = arith.constant 0 : i32
    %dma_wait3A_94 = tpu.memref_slice %arg3[%dma_wait3A_92, %dma_wait3A_93] : memref<10000x128xf32, #tpu.memory_space<hbm>> -> memref<80x128xf32, #tpu.memory_space<hbm>>
    %dma_wait3A_95 = arith.constant 0 : i32
    %dma_wait3A_96 = arith.constant 0 : i32
    %dma_wait3A_97 = tpu.memref_slice %arg3[%dma_wait3A_95, %dma_wait3A_96] : memref<10000x128xf32, #tpu.memory_space<hbm>> -> memref<80x128xf32, #tpu.memory_space<hbm>>
    tpu.wait_dma2 semaphore(%arg19 : memref<!tpu.dma_semaphore, #tpu.memory_space<semaphore_mem>>) src(%dma_wait3A_97 : memref<80x128xf32, #tpu.memory_space<hbm>>) dst(%arg15 : memref<80x128xf32, #tpu.memory_space<vmem>>)
    %parallel_loop3A_98 = arith.constant 0 : i32
    %parallel_loop3A_99 = arith.constant 80 : i32
    %parallel_loop3A_100 = arith.constant 1 : i32
    scf.for %parallel_loop3A_179 = %parallel_loop3A_98 to %parallel_loop3A_99 step %parallel_loop3A_100  : i32 {
      %parallel_loop3A_180 = arith.index_cast %parallel_loop3A_179 : i32 to index
      %parallel_loop3A_181 = arith.constant 0 : index
      %parallel_loop3A_182 = tpu.vector_load %arg15[%parallel_loop3A_180, %parallel_loop3A_181] {strides = array<i32>} : memref<80x128xf32, #tpu.memory_space<vmem>>, vector<1x16xf32>,
      %parallel_loop3A_183 = vector.shape_cast %parallel_loop3A_182 : vector<1x16xf32> to vector<16xf32>
      %parallel_loop3A_184 = arith.index_cast %parallel_loop3A_179 : i32 to index
      %parallel_loop3A_185 = arith.constant 0 : index
      %parallel_loop3A_186 = tpu.vector_load %arg11[%parallel_loop3A_184, %parallel_loop3A_185] {strides = array<i32>} : memref<80x128xf32, #tpu.memory_space<vmem>>, vector<1x16xf32>,
      %parallel_loop3A_187 = vector.shape_cast %parallel_loop3A_186 : vector<1x16xf32> to vector<16xf32>
      %parallel_loop3A_188 = vector.shape_cast %parallel_loop3A_183 : vector<16xf32> to vector<1x16xf32>
      tpu.vector_store %arg11[%parallel_loop3A_184, %parallel_loop3A_185], %parallel_loop3A_188 {add = true, strides = array<i32>} : memref<80x128xf32, #tpu.memory_space<vmem>>, vector<1x16xf32>,
      %parallel_loop3A_189 = arith.index_cast %parallel_loop3A_179 : i32 to index
      %parallel_loop3A_190 = arith.constant 16 : index
      %parallel_loop3A_191 = tpu.vector_load %arg15[%parallel_loop3A_189, %parallel_loop3A_190] {strides = array<i32>} : memref<80x128xf32, #tpu.memory_space<vmem>>, vector<1x16xf32>,
      %parallel_loop3A_192 = vector.shape_cast %parallel_loop3A_191 : vector<1x16xf32> to vector<16xf32>
      %parallel_loop3A_193 = arith.index_cast %parallel_loop3A_179 : i32 to index
      %parallel_loop3A_194 = arith.constant 16 : index
      %parallel_loop3A_195 = tpu.vector_load %arg11[%parallel_loop3A_193, %parallel_loop3A_194] {strides = array<i32>} : memref<80x128xf32, #tpu.memory_space<vmem>>, vector<1x16xf32>,
      %parallel_loop3A_196 = vector.shape_cast %parallel_loop3A_195 : vector<1x16xf32> to vector<16xf32>
      %parallel_loop3A_197 = vector.shape_cast %parallel_loop3A_192 : vector<16xf32> to vector<1x16xf32>
      tpu.vector_store %arg11[%parallel_loop3A_193, %parallel_loop3A_194], %parallel_loop3A_197 {add = true, strides = array<i32>} : memref<80x128xf32, #tpu.memory_space<vmem>>, vector<1x16xf32>,
      %parallel_loop3A_198 = arith.index_cast %parallel_loop3A_179 : i32 to index
      %parallel_loop3A_199 = arith.constant 32 : index
      %parallel_loop3A_200 = tpu.vector_load %arg15[%parallel_loop3A_198, %parallel_loop3A_199] {strides = array<i32>} : memref<80x128xf32, #tpu.memory_space<vmem>>, vector<1x16xf32>,
      %parallel_loop3A_201 = vector.shape_cast %parallel_loop3A_200 : vector<1x16xf32> to vector<16xf32>
      %parallel_loop3A_202 = arith.index_cast %parallel_loop3A_179 : i32 to index
      %parallel_loop3A_203 = arith.constant 32 : index
      %parallel_loop3A_204 = tpu.vector_load %arg11[%parallel_loop3A_202, %parallel_loop3A_203] {strides = array<i32>} : memref<80x128xf32, #tpu.memory_space<vmem>>, vector<1x16xf32>,
      %parallel_loop3A_205 = vector.shape_cast %parallel_loop3A_204 : vector<1x16xf32> to vector<16xf32>
      %parallel_loop3A_206 = vector.shape_cast %parallel_loop3A_201 : vector<16xf32> to vector<1x16xf32>
      tpu.vector_store %arg11[%parallel_loop3A_202, %parallel_loop3A_203], %parallel_loop3A_206 {add = true, strides = array<i32>} : memref<80x128xf32, #tpu.memory_space<vmem>>, vector<1x16xf32>,
      %parallel_loop3A_207 = arith.index_cast %parallel_loop3A_179 : i32 to index
      %parallel_loop3A_208 = arith.constant 48 : index
      %parallel_loop3A_209 = tpu.vector_load %arg15[%parallel_loop3A_207, %parallel_loop3A_208] {strides = array<i32>} : memref<80x128xf32, #tpu.memory_space<vmem>>, vector<1x16xf32>,
      %parallel_loop3A_210 = vector.shape_cast %parallel_loop3A_209 : vector<1x16xf32> to vector<16xf32>
      %parallel_loop3A_211 = arith.index_cast %parallel_loop3A_179 : i32 to index
      %parallel_loop3A_212 = arith.constant 48 : index
      %parallel_loop3A_213 = tpu.vector_load %arg11[%parallel_loop3A_211, %parallel_loop3A_212] {strides = array<i32>} : memref<80x128xf32, #tpu.memory_space<vmem>>, vector<1x16xf32>,
      %parallel_loop3A_214 = vector.shape_cast %parallel_loop3A_213 : vector<1x16xf32> to vector<16xf32>
      %parallel_loop3A_215 = vector.shape_cast %parallel_loop3A_210 : vector<16xf32> to vector<1x16xf32>
      tpu.vector_store %arg11[%parallel_loop3A_211, %parallel_loop3A_212], %parallel_loop3A_215 {add = true, strides = array<i32>} : memref<80x128xf32, #tpu.memory_space<vmem>>, vector<1x16xf32>,
      %parallel_loop3A_216 = arith.index_cast %parallel_loop3A_179 : i32 to index
      %parallel_loop3A_217 = arith.constant 64 : index
      %parallel_loop3A_218 = tpu.vector_load %arg15[%parallel_loop3A_216, %parallel_loop3A_217] {strides = array<i32>} : memref<80x128xf32, #tpu.memory_space<vmem>>, vector<1x16xf32>,
      %parallel_loop3A_219 = vector.shape_cast %parallel_loop3A_218 : vector<1x16xf32> to vector<16xf32>
      %parallel_loop3A_220 = arith.index_cast %parallel_loop3A_179 : i32 to index
      %parallel_loop3A_221 = arith.constant 64 : index
      %parallel_loop3A_222 = tpu.vector_load %arg11[%parallel_loop3A_220, %parallel_loop3A_221] {strides = array<i32>} : memref<80x128xf32, #tpu.memory_space<vmem>>, vector<1x16xf32>,
      %parallel_loop3A_223 = vector.shape_cast %parallel_loop3A_222 : vector<1x16xf32> to vector<16xf32>
      %parallel_loop3A_224 = vector.shape_cast %parallel_loop3A_219 : vector<16xf32> to vector<1x16xf32>
      tpu.vector_store %arg11[%parallel_loop3A_220, %parallel_loop3A_221], %parallel_loop3A_224 {add = true, strides = array<i32>} : memref<80x128xf32, #tpu.memory_space<vmem>>, vector<1x16xf32>,
      %parallel_loop3A_225 = arith.index_cast %parallel_loop3A_179 : i32 to index
      %parallel_loop3A_226 = arith.constant 80 : index
      %parallel_loop3A_227 = tpu.vector_load %arg15[%parallel_loop3A_225, %parallel_loop3A_226] {strides = array<i32>} : memref<80x128xf32, #tpu.memory_space<vmem>>, vector<1x16xf32>,
      %parallel_loop3A_228 = vector.shape_cast %parallel_loop3A_227 : vector<1x16xf32> to vector<16xf32>
      %parallel_loop3A_229 = arith.index_cast %parallel_loop3A_179 : i32 to index
      %parallel_loop3A_230 = arith.constant 80 : index
      %parallel_loop3A_231 = tpu.vector_load %arg11[%parallel_loop3A_229, %parallel_loop3A_230] {strides = array<i32>} : memref<80x128xf32, #tpu.memory_space<vmem>>, vector<1x16xf32>,
      %parallel_loop3A_232 = vector.shape_cast %parallel_loop3A_231 : vector<1x16xf32> to vector<16xf32>
      %parallel_loop3A_233 = vector.shape_cast %parallel_loop3A_228 : vector<16xf32> to vector<1x16xf32>
      tpu.vector_store %arg11[%parallel_loop3A_229, %parallel_loop3A_230], %parallel_loop3A_233 {add = true, strides = array<i32>} : memref<80x128xf32, #tpu.memory_space<vmem>>, vector<1x16xf32>,
      %parallel_loop3A_234 = arith.index_cast %parallel_loop3A_179 : i32 to index
      %parallel_loop3A_235 = arith.constant 96 : index
      %parallel_loop3A_236 = tpu.vector_load %arg15[%parallel_loop3A_234, %parallel_loop3A_235] {strides = array<i32>} : memref<80x128xf32, #tpu.memory_space<vmem>>, vector<1x16xf32>,
      %parallel_loop3A_237 = vector.shape_cast %parallel_loop3A_236 : vector<1x16xf32> to vector<16xf32>
      %parallel_loop3A_238 = arith.index_cast %parallel_loop3A_179 : i32 to index
      %parallel_loop3A_239 = arith.constant 96 : index
      %parallel_loop3A_240 = tpu.vector_load %arg11[%parallel_loop3A_238, %parallel_loop3A_239] {strides = array<i32>} : memref<80x128xf32, #tpu.memory_space<vmem>>, vector<1x16xf32>,
      %parallel_loop3A_241 = vector.shape_cast %parallel_loop3A_240 : vector<1x16xf32> to vector<16xf32>
      %parallel_loop3A_242 = vector.shape_cast %parallel_loop3A_237 : vector<16xf32> to vector<1x16xf32>
      tpu.vector_store %arg11[%parallel_loop3A_238, %parallel_loop3A_239], %parallel_loop3A_242 {add = true, strides = array<i32>} : memref<80x128xf32, #tpu.memory_space<vmem>>, vector<1x16xf32>,
      %parallel_loop3A_243 = arith.index_cast %parallel_loop3A_179 : i32 to index
      %parallel_loop3A_244 = arith.constant 112 : index
      %parallel_loop3A_245 = tpu.vector_load %arg15[%parallel_loop3A_243, %parallel_loop3A_244] {strides = array<i32>} : memref<80x128xf32, #tpu.memory_space<vmem>>, vector<1x16xf32>,
      %parallel_loop3A_246 = vector.shape_cast %parallel_loop3A_245 : vector<1x16xf32> to vector<16xf32>
      %parallel_loop3A_247 = arith.index_cast %parallel_loop3A_179 : i32 to index
      %parallel_loop3A_248 = arith.constant 112 : index
      %parallel_loop3A_249 = tpu.vector_load %arg11[%parallel_loop3A_247, %parallel_loop3A_248] {strides = array<i32>} : memref<80x128xf32, #tpu.memory_space<vmem>>, vector<1x16xf32>,
      %parallel_loop3A_250 = vector.shape_cast %parallel_loop3A_249 : vector<1x16xf32> to vector<16xf32>
      %parallel_loop3A_251 = vector.shape_cast %parallel_loop3A_246 : vector<16xf32> to vector<1x16xf32>
      tpu.vector_store %arg11[%parallel_loop3A_247, %parallel_loop3A_248], %parallel_loop3A_251 {add = true, strides = array<i32>} : memref<80x128xf32, #tpu.memory_space<vmem>>, vector<1x16xf32>,
    } {sc.loop_unroll_factor = 2 : i64, sc.parallel_access}
    %add3A_101 = arith.constant 9760 : i32
    %add3A_102 = arith.addi %mul3A_2, %add3A_101 : i32
    %dma_start3A_103 = arith.constant 0 : i32
    %dma_start3A_104 = tpu.memref_slice %arg6[%add3A_102, %dma_start3A_103] : memref<320000x128xf32, #tpu.memory_space<hbm>> -> memref<80x128xf32, #tpu.memory_space<hbm>>
    %dma_start3A_105 = arith.constant 0 : i32
    %dma_start3A_106 = tpu.memref_slice %arg6[%add3A_102, %dma_start3A_105] : memref<320000x128xf32, #tpu.memory_space<hbm>> -> memref<80x128xf32, #tpu.memory_space<hbm>>
    tpu.enqueue_dma source(%arg11 : memref<80x128xf32, #tpu.memory_space<vmem>>) target(%dma_start3A_106 : memref<80x128xf32, #tpu.memory_space<hbm>>) target_semaphore(%arg23 : memref<!tpu.dma_semaphore, #tpu.memory_space<semaphore_mem>>)
    %dma_wait3A_107 = arith.constant 0 : i32
    %dma_wait3A_108 = arith.constant 0 : i32
    %dma_wait3A_109 = tpu.memref_slice %arg2[%dma_wait3A_107, %dma_wait3A_108] : memref<10000x128xf32, #tpu.memory_space<hbm>> -> memref<80x128xf32, #tpu.memory_space<hbm>>
    %dma_wait3A_110 = arith.constant 0 : i32
    %dma_wait3A_111 = arith.constant 0 : i32
    %dma_wait3A_112 = tpu.memref_slice %arg2[%dma_wait3A_110, %dma_wait3A_111] : memref<10000x128xf32, #tpu.memory_space<hbm>> -> memref<80x128xf32, #tpu.memory_space<hbm>>
    tpu.wait_dma2 semaphore(%arg20 : memref<!tpu.dma_semaphore, #tpu.memory_space<semaphore_mem>>) src(%dma_wait3A_112 : memref<80x128xf32, #tpu.memory_space<hbm>>) dst(%arg12 : memref<80x128xf32, #tpu.memory_space<vmem>>)
    %dma_wait3A_113 = arith.constant 0 : i32
    %dma_wait3A_114 = arith.constant 0 : i32
    %dma_wait3A_115 = tpu.memref_slice %arg3[%dma_wait3A_113, %dma_wait3A_114] : memref<10000x128xf32, #tpu.memory_space<hbm>> -> memref<80x128xf32, #tpu.memory_space<hbm>>
    %dma_wait3A_116 = arith.constant 0 : i32
    %dma_wait3A_117 = arith.constant 0 : i32
    %dma_wait3A_118 = tpu.memref_slice %arg3[%dma_wait3A_116, %dma_wait3A_117] : memref<10000x128xf32, #tpu.memory_space<hbm>> -> memref<80x128xf32, #tpu.memory_space<hbm>>
    tpu.wait_dma2 semaphore(%arg20 : memref<!tpu.dma_semaphore, #tpu.memory_space<semaphore_mem>>) src(%dma_wait3A_118 : memref<80x128xf32, #tpu.memory_space<hbm>>) dst(%arg16 : memref<80x128xf32, #tpu.memory_space<vmem>>)
    %parallel_loop3A_119 = arith.constant 0 : i32
    %parallel_loop3A_120 = arith.constant 80 : i32
    %parallel_loop3A_121 = arith.constant 1 : i32
    scf.for %parallel_loop3A_179 = %parallel_loop3A_119 to %parallel_loop3A_120 step %parallel_loop3A_121  : i32 {
      %parallel_loop3A_180 = arith.index_cast %parallel_loop3A_179 : i32 to index
      %parallel_loop3A_181 = arith.constant 0 : index
      %parallel_loop3A_182 = tpu.vector_load %arg16[%parallel_loop3A_180, %parallel_loop3A_181] {strides = array<i32>} : memref<80x128xf32, #tpu.memory_space<vmem>>, vector<1x16xf32>,
      %parallel_loop3A_183 = vector.shape_cast %parallel_loop3A_182 : vector<1x16xf32> to vector<16xf32>
      %parallel_loop3A_184 = arith.index_cast %parallel_loop3A_179 : i32 to index
      %parallel_loop3A_185 = arith.constant 0 : index
      %parallel_loop3A_186 = tpu.vector_load %arg12[%parallel_loop3A_184, %parallel_loop3A_185] {strides = array<i32>} : memref<80x128xf32, #tpu.memory_space<vmem>>, vector<1x16xf32>,
      %parallel_loop3A_187 = vector.shape_cast %parallel_loop3A_186 : vector<1x16xf32> to vector<16xf32>
      %parallel_loop3A_188 = vector.shape_cast %parallel_loop3A_183 : vector<16xf32> to vector<1x16xf32>
      tpu.vector_store %arg12[%parallel_loop3A_184, %parallel_loop3A_185], %parallel_loop3A_188 {add = true, strides = array<i32>} : memref<80x128xf32, #tpu.memory_space<vmem>>, vector<1x16xf32>,
      %parallel_loop3A_189 = arith.index_cast %parallel_loop3A_179 : i32 to index
      %parallel_loop3A_190 = arith.constant 16 : index
      %parallel_loop3A_191 = tpu.vector_load %arg16[%parallel_loop3A_189, %parallel_loop3A_190] {strides = array<i32>} : memref<80x128xf32, #tpu.memory_space<vmem>>, vector<1x16xf32>,
      %parallel_loop3A_192 = vector.shape_cast %parallel_loop3A_191 : vector<1x16xf32> to vector<16xf32>
      %parallel_loop3A_193 = arith.index_cast %parallel_loop3A_179 : i32 to index
      %parallel_loop3A_194 = arith.constant 16 : index
      %parallel_loop3A_195 = tpu.vector_load %arg12[%parallel_loop3A_193, %parallel_loop3A_194] {strides = array<i32>} : memref<80x128xf32, #tpu.memory_space<vmem>>, vector<1x16xf32>,
      %parallel_loop3A_196 = vector.shape_cast %parallel_loop3A_195 : vector<1x16xf32> to vector<16xf32>
      %parallel_loop3A_197 = vector.shape_cast %parallel_loop3A_192 : vector<16xf32> to vector<1x16xf32>
      tpu.vector_store %arg12[%parallel_loop3A_193, %parallel_loop3A_194], %parallel_loop3A_197 {add = true, strides = array<i32>} : memref<80x128xf32, #tpu.memory_space<vmem>>, vector<1x16xf32>,
      %parallel_loop3A_198 = arith.index_cast %parallel_loop3A_179 : i32 to index
      %parallel_loop3A_199 = arith.constant 32 : index
      %parallel_loop3A_200 = tpu.vector_load %arg16[%parallel_loop3A_198, %parallel_loop3A_199] {strides = array<i32>} : memref<80x128xf32, #tpu.memory_space<vmem>>, vector<1x16xf32>,
      %parallel_loop3A_201 = vector.shape_cast %parallel_loop3A_200 : vector<1x16xf32> to vector<16xf32>
      %parallel_loop3A_202 = arith.index_cast %parallel_loop3A_179 : i32 to index
      %parallel_loop3A_203 = arith.constant 32 : index
      %parallel_loop3A_204 = tpu.vector_load %arg12[%parallel_loop3A_202, %parallel_loop3A_203] {strides = array<i32>} : memref<80x128xf32, #tpu.memory_space<vmem>>, vector<1x16xf32>,
      %parallel_loop3A_205 = vector.shape_cast %parallel_loop3A_204 : vector<1x16xf32> to vector<16xf32>
      %parallel_loop3A_206 = vector.shape_cast %parallel_loop3A_201 : vector<16xf32> to vector<1x16xf32>
      tpu.vector_store %arg12[%parallel_loop3A_202, %parallel_loop3A_203], %parallel_loop3A_206 {add = true, strides = array<i32>} : memref<80x128xf32, #tpu.memory_space<vmem>>, vector<1x16xf32>,
      %parallel_loop3A_207 = arith.index_cast %parallel_loop3A_179 : i32 to index
      %parallel_loop3A_208 = arith.constant 48 : index
      %parallel_loop3A_209 = tpu.vector_load %arg16[%parallel_loop3A_207, %parallel_loop3A_208] {strides = array<i32>} : memref<80x128xf32, #tpu.memory_space<vmem>>, vector<1x16xf32>,
      %parallel_loop3A_210 = vector.shape_cast %parallel_loop3A_209 : vector<1x16xf32> to vector<16xf32>
      %parallel_loop3A_211 = arith.index_cast %parallel_loop3A_179 : i32 to index
      %parallel_loop3A_212 = arith.constant 48 : index
      %parallel_loop3A_213 = tpu.vector_load %arg12[%parallel_loop3A_211, %parallel_loop3A_212] {strides = array<i32>} : memref<80x128xf32, #tpu.memory_space<vmem>>, vector<1x16xf32>,
      %parallel_loop3A_214 = vector.shape_cast %parallel_loop3A_213 : vector<1x16xf32> to vector<16xf32>
      %parallel_loop3A_215 = vector.shape_cast %parallel_loop3A_210 : vector<16xf32> to vector<1x16xf32>
      tpu.vector_store %arg12[%parallel_loop3A_211, %parallel_loop3A_212], %parallel_loop3A_215 {add = true, strides = array<i32>} : memref<80x128xf32, #tpu.memory_space<vmem>>, vector<1x16xf32>,
      %parallel_loop3A_216 = arith.index_cast %parallel_loop3A_179 : i32 to index
      %parallel_loop3A_217 = arith.constant 64 : index
      %parallel_loop3A_218 = tpu.vector_load %arg16[%parallel_loop3A_216, %parallel_loop3A_217] {strides = array<i32>} : memref<80x128xf32, #tpu.memory_space<vmem>>, vector<1x16xf32>,
      %parallel_loop3A_219 = vector.shape_cast %parallel_loop3A_218 : vector<1x16xf32> to vector<16xf32>
      %parallel_loop3A_220 = arith.index_cast %parallel_loop3A_179 : i32 to index
      %parallel_loop3A_221 = arith.constant 64 : index
      %parallel_loop3A_222 = tpu.vector_load %arg12[%parallel_loop3A_220, %parallel_loop3A_221] {strides = array<i32>} : memref<80x128xf32, #tpu.memory_space<vmem>>, vector<1x16xf32>,
      %parallel_loop3A_223 = vector.shape_cast %parallel_loop3A_222 : vector<1x16xf32> to vector<16xf32>
      %parallel_loop3A_224 = vector.shape_cast %parallel_loop3A_219 : vector<16xf32> to vector<1x16xf32>
      tpu.vector_store %arg12[%parallel_loop3A_220, %parallel_loop3A_221], %parallel_loop3A_224 {add = true, strides = array<i32>} : memref<80x128xf32, #tpu.memory_space<vmem>>, vector<1x16xf32>,
      %parallel_loop3A_225 = arith.index_cast %parallel_loop3A_179 : i32 to index
      %parallel_loop3A_226 = arith.constant 80 : index
      %parallel_loop3A_227 = tpu.vector_load %arg16[%parallel_loop3A_225, %parallel_loop3A_226] {strides = array<i32>} : memref<80x128xf32, #tpu.memory_space<vmem>>, vector<1x16xf32>,
      %parallel_loop3A_228 = vector.shape_cast %parallel_loop3A_227 : vector<1x16xf32> to vector<16xf32>
      %parallel_loop3A_229 = arith.index_cast %parallel_loop3A_179 : i32 to index
      %parallel_loop3A_230 = arith.constant 80 : index
      %parallel_loop3A_231 = tpu.vector_load %arg12[%parallel_loop3A_229, %parallel_loop3A_230] {strides = array<i32>} : memref<80x128xf32, #tpu.memory_space<vmem>>, vector<1x16xf32>,
      %parallel_loop3A_232 = vector.shape_cast %parallel_loop3A_231 : vector<1x16xf32> to vector<16xf32>
      %parallel_loop3A_233 = vector.shape_cast %parallel_loop3A_228 : vector<16xf32> to vector<1x16xf32>
      tpu.vector_store %arg12[%parallel_loop3A_229, %parallel_loop3A_230], %parallel_loop3A_233 {add = true, strides = array<i32>} : memref<80x128xf32, #tpu.memory_space<vmem>>, vector<1x16xf32>,
      %parallel_loop3A_234 = arith.index_cast %parallel_loop3A_179 : i32 to index
      %parallel_loop3A_235 = arith.constant 96 : index
      %parallel_loop3A_236 = tpu.vector_load %arg16[%parallel_loop3A_234, %parallel_loop3A_235] {strides = array<i32>} : memref<80x128xf32, #tpu.memory_space<vmem>>, vector<1x16xf32>,
      %parallel_loop3A_237 = vector.shape_cast %parallel_loop3A_236 : vector<1x16xf32> to vector<16xf32>
      %parallel_loop3A_238 = arith.index_cast %parallel_loop3A_179 : i32 to index
      %parallel_loop3A_239 = arith.constant 96 : index
      %parallel_loop3A_240 = tpu.vector_load %arg12[%parallel_loop3A_238, %parallel_loop3A_239] {strides = array<i32>} : memref<80x128xf32, #tpu.memory_space<vmem>>, vector<1x16xf32>,
      %parallel_loop3A_241 = vector.shape_cast %parallel_loop3A_240 : vector<1x16xf32> to vector<16xf32>
      %parallel_loop3A_242 = vector.shape_cast %parallel_loop3A_237 : vector<16xf32> to vector<1x16xf32>
      tpu.vector_store %arg12[%parallel_loop3A_238, %parallel_loop3A_239], %parallel_loop3A_242 {add = true, strides = array<i32>} : memref<80x128xf32, #tpu.memory_space<vmem>>, vector<1x16xf32>,
      %parallel_loop3A_243 = arith.index_cast %parallel_loop3A_179 : i32 to index
      %parallel_loop3A_244 = arith.constant 112 : index
      %parallel_loop3A_245 = tpu.vector_load %arg16[%parallel_loop3A_243, %parallel_loop3A_244] {strides = array<i32>} : memref<80x128xf32, #tpu.memory_space<vmem>>, vector<1x16xf32>,
      %parallel_loop3A_246 = vector.shape_cast %parallel_loop3A_245 : vector<1x16xf32> to vector<16xf32>
      %parallel_loop3A_247 = arith.index_cast %parallel_loop3A_179 : i32 to index
      %parallel_loop3A_248 = arith.constant 112 : index
      %parallel_loop3A_249 = tpu.vector_load %arg12[%parallel_loop3A_247, %parallel_loop3A_248] {strides = array<i32>} : memref<80x128xf32, #tpu.memory_space<vmem>>, vector<1x16xf32>,
      %parallel_loop3A_250 = vector.shape_cast %parallel_loop3A_249 : vector<1x16xf32> to vector<16xf32>
      %parallel_loop3A_251 = vector.shape_cast %parallel_loop3A_246 : vector<16xf32> to vector<1x16xf32>
      tpu.vector_store %arg12[%parallel_loop3A_247, %parallel_loop3A_248], %parallel_loop3A_251 {add = true, strides = array<i32>} : memref<80x128xf32, #tpu.memory_space<vmem>>, vector<1x16xf32>,
    } {sc.loop_unroll_factor = 2 : i64, sc.parallel_access}
    %add3A_122 = arith.constant 9840 : i32
    %add3A_123 = arith.addi %mul3A_2, %add3A_122 : i32
    %dma_start3A_124 = arith.constant 0 : i32
    %dma_start3A_125 = tpu.memref_slice %arg6[%add3A_123, %dma_start3A_124] : memref<320000x128xf32, #tpu.memory_space<hbm>> -> memref<80x128xf32, #tpu.memory_space<hbm>>
    %dma_start3A_126 = arith.constant 0 : i32
    %dma_start3A_127 = tpu.memref_slice %arg6[%add3A_123, %dma_start3A_126] : memref<320000x128xf32, #tpu.memory_space<hbm>> -> memref<80x128xf32, #tpu.memory_space<hbm>>
    tpu.enqueue_dma source(%arg12 : memref<80x128xf32, #tpu.memory_space<vmem>>) target(%dma_start3A_127 : memref<80x128xf32, #tpu.memory_space<hbm>>) target_semaphore(%arg24 : memref<!tpu.dma_semaphore, #tpu.memory_space<semaphore_mem>>)
    %dma_wait3A_128 = arith.constant 0 : i32
    %dma_wait3A_129 = tpu.memref_slice %arg6[%mul3A_2, %dma_wait3A_128] : memref<320000x128xf32, #tpu.memory_space<hbm>> -> memref<80x128xf32, #tpu.memory_space<hbm>>
    %dma_wait3A_130 = arith.constant 0 : i32
    %dma_wait3A_131 = tpu.memref_slice %arg6[%mul3A_2, %dma_wait3A_130] : memref<320000x128xf32, #tpu.memory_space<hbm>> -> memref<80x128xf32, #tpu.memory_space<hbm>>
    tpu.wait_dma2 semaphore(%arg21 : memref<!tpu.dma_semaphore, #tpu.memory_space<semaphore_mem>>) src(%arg9 : memref<80x128xf32, #tpu.memory_space<vmem>>) dst(%dma_wait3A_131 : memref<80x128xf32, #tpu.memory_space<hbm>>)
    %dma_start3A_132 = arith.constant 9920 : i32
    %dma_start3A_133 = tpu.memref_slice %arg7[%dma_start3A_132] : memref<10000xi32, #tpu.memory_space<vmem>> -> memref<80xi32, #tpu.memory_space<vmem>>
    %dma_start3A_134 = arith.constant 0 : i32
    %dma_start3A_135 = arith.constant 0 : i32
    %dma_start3A_136 = tpu.memref_slice %arg2[%dma_start3A_134, %dma_start3A_135] : memref<10000x128xf32, #tpu.memory_space<hbm>> -> memref<10000x128xf32, #tpu.memory_space<hbm>>
    tpu.enqueue_indirect_dma source(%dma_start3A_136 : memref<10000x128xf32, #tpu.memory_space<hbm>>) target(%arg9 : memref<80x128xf32, #tpu.memory_space<vmem>>) offsets(%dma_start3A_133 : memref<80xi32, #tpu.memory_space<vmem>>) semaphore(%arg17 : memref<!tpu.dma_semaphore, #tpu.memory_space<semaphore_mem>>)
    %dma_start3A_137 = arith.constant 9920 : i32
    %dma_start3A_138 = tpu.memref_slice %arg8[%dma_start3A_137] : memref<10000xi32, #tpu.memory_space<vmem>> -> memref<80xi32, #tpu.memory_space<vmem>>
    %dma_start3A_139 = arith.constant 0 : i32
    %dma_start3A_140 = arith.constant 0 : i32
    %dma_start3A_141 = tpu.memref_slice %arg3[%dma_start3A_139, %dma_start3A_140] : memref<10000x128xf32, #tpu.memory_space<hbm>> -> memref<10000x128xf32, #tpu.memory_space<hbm>>
    tpu.enqueue_indirect_dma source(%dma_start3A_141 : memref<10000x128xf32, #tpu.memory_space<hbm>>) target(%arg13 : memref<80x128xf32, #tpu.memory_space<vmem>>) offsets(%dma_start3A_138 : memref<80xi32, #tpu.memory_space<vmem>>) semaphore(%arg17 : memref<!tpu.dma_semaphore, #tpu.memory_space<semaphore_mem>>)
    %dma_wait3A_142 = arith.constant 0 : i32
    %dma_wait3A_143 = arith.constant 0 : i32
    %dma_wait3A_144 = tpu.memref_slice %arg2[%dma_wait3A_142, %dma_wait3A_143] : memref<10000x128xf32, #tpu.memory_space<hbm>> -> memref<80x128xf32, #tpu.memory_space<hbm>>
    %dma_wait3A_145 = arith.constant 0 : i32
    %dma_wait3A_146 = arith.constant 0 : i32
    %dma_wait3A_147 = tpu.memref_slice %arg2[%dma_wait3A_145, %dma_wait3A_146] : memref<10000x128xf32, #tpu.memory_space<hbm>> -> memref<80x128xf32, #tpu.memory_space<hbm>>
    tpu.wait_dma2 semaphore(%arg17 : memref<!tpu.dma_semaphore, #tpu.memory_space<semaphore_mem>>) src(%dma_wait3A_147 : memref<80x128xf32, #tpu.memory_space<hbm>>) dst(%arg9 : memref<80x128xf32, #tpu.memory_space<vmem>>)
    %dma_wait3A_148 = arith.constant 0 : i32
    %dma_wait3A_149 = arith.constant 0 : i32
    %dma_wait3A_150 = tpu.memref_slice %arg3[%dma_wait3A_148, %dma_wait3A_149] : memref<10000x128xf32, #tpu.memory_space<hbm>> -> memref<80x128xf32, #tpu.memory_space<hbm>>
    %dma_wait3A_151 = arith.constant 0 : i32
    %dma_wait3A_152 = arith.constant 0 : i32
    %dma_wait3A_153 = tpu.memref_slice %arg3[%dma_wait3A_151, %dma_wait3A_152] : memref<10000x128xf32, #tpu.memory_space<hbm>> -> memref<80x128xf32, #tpu.memory_space<hbm>>
    tpu.wait_dma2 semaphore(%arg17 : memref<!tpu.dma_semaphore, #tpu.memory_space<semaphore_mem>>) src(%dma_wait3A_153 : memref<80x128xf32, #tpu.memory_space<hbm>>) dst(%arg13 : memref<80x128xf32, #tpu.memory_space<vmem>>)
    %parallel_loop3A_154 = arith.constant 0 : i32
    %parallel_loop3A_155 = arith.constant 80 : i32
    %parallel_loop3A_156 = arith.constant 1 : i32
    scf.for %parallel_loop3A_179 = %parallel_loop3A_154 to %parallel_loop3A_155 step %parallel_loop3A_156  : i32 {
      %parallel_loop3A_180 = arith.index_cast %parallel_loop3A_179 : i32 to index
      %parallel_loop3A_181 = arith.constant 0 : index
      %parallel_loop3A_182 = tpu.vector_load %arg13[%parallel_loop3A_180, %parallel_loop3A_181] {strides = array<i32>} : memref<80x128xf32, #tpu.memory_space<vmem>>, vector<1x16xf32>,
      %parallel_loop3A_183 = vector.shape_cast %parallel_loop3A_182 : vector<1x16xf32> to vector<16xf32>
      %parallel_loop3A_184 = arith.index_cast %parallel_loop3A_179 : i32 to index
      %parallel_loop3A_185 = arith.constant 0 : index
      %parallel_loop3A_186 = tpu.vector_load %arg9[%parallel_loop3A_184, %parallel_loop3A_185] {strides = array<i32>} : memref<80x128xf32, #tpu.memory_space<vmem>>, vector<1x16xf32>,
      %parallel_loop3A_187 = vector.shape_cast %parallel_loop3A_186 : vector<1x16xf32> to vector<16xf32>
      %parallel_loop3A_188 = vector.shape_cast %parallel_loop3A_183 : vector<16xf32> to vector<1x16xf32>
      tpu.vector_store %arg9[%parallel_loop3A_184, %parallel_loop3A_185], %parallel_loop3A_188 {add = true, strides = array<i32>} : memref<80x128xf32, #tpu.memory_space<vmem>>, vector<1x16xf32>,
      %parallel_loop3A_189 = arith.index_cast %parallel_loop3A_179 : i32 to index
      %parallel_loop3A_190 = arith.constant 16 : index
      %parallel_loop3A_191 = tpu.vector_load %arg13[%parallel_loop3A_189, %parallel_loop3A_190] {strides = array<i32>} : memref<80x128xf32, #tpu.memory_space<vmem>>, vector<1x16xf32>,
      %parallel_loop3A_192 = vector.shape_cast %parallel_loop3A_191 : vector<1x16xf32> to vector<16xf32>
      %parallel_loop3A_193 = arith.index_cast %parallel_loop3A_179 : i32 to index
      %parallel_loop3A_194 = arith.constant 16 : index
      %parallel_loop3A_195 = tpu.vector_load %arg9[%parallel_loop3A_193, %parallel_loop3A_194] {strides = array<i32>} : memref<80x128xf32, #tpu.memory_space<vmem>>, vector<1x16xf32>,
      %parallel_loop3A_196 = vector.shape_cast %parallel_loop3A_195 : vector<1x16xf32> to vector<16xf32>
      %parallel_loop3A_197 = vector.shape_cast %parallel_loop3A_192 : vector<16xf32> to vector<1x16xf32>
      tpu.vector_store %arg9[%parallel_loop3A_193, %parallel_loop3A_194], %parallel_loop3A_197 {add = true, strides = array<i32>} : memref<80x128xf32, #tpu.memory_space<vmem>>, vector<1x16xf32>,
      %parallel_loop3A_198 = arith.index_cast %parallel_loop3A_179 : i32 to index
      %parallel_loop3A_199 = arith.constant 32 : index
      %parallel_loop3A_200 = tpu.vector_load %arg13[%parallel_loop3A_198, %parallel_loop3A_199] {strides = array<i32>} : memref<80x128xf32, #tpu.memory_space<vmem>>, vector<1x16xf32>,
      %parallel_loop3A_201 = vector.shape_cast %parallel_loop3A_200 : vector<1x16xf32> to vector<16xf32>
      %parallel_loop3A_202 = arith.index_cast %parallel_loop3A_179 : i32 to index
      %parallel_loop3A_203 = arith.constant 32 : index
      %parallel_loop3A_204 = tpu.vector_load %arg9[%parallel_loop3A_202, %parallel_loop3A_203] {strides = array<i32>} : memref<80x128xf32, #tpu.memory_space<vmem>>, vector<1x16xf32>,
      %parallel_loop3A_205 = vector.shape_cast %parallel_loop3A_204 : vector<1x16xf32> to vector<16xf32>
      %parallel_loop3A_206 = vector.shape_cast %parallel_loop3A_201 : vector<16xf32> to vector<1x16xf32>
      tpu.vector_store %arg9[%parallel_loop3A_202, %parallel_loop3A_203], %parallel_loop3A_206 {add = true, strides = array<i32>} : memref<80x128xf32, #tpu.memory_space<vmem>>, vector<1x16xf32>,
      %parallel_loop3A_207 = arith.index_cast %parallel_loop3A_179 : i32 to index
      %parallel_loop3A_208 = arith.constant 48 : index
      %parallel_loop3A_209 = tpu.vector_load %arg13[%parallel_loop3A_207, %parallel_loop3A_208] {strides = array<i32>} : memref<80x128xf32, #tpu.memory_space<vmem>>, vector<1x16xf32>,
      %parallel_loop3A_210 = vector.shape_cast %parallel_loop3A_209 : vector<1x16xf32> to vector<16xf32>
      %parallel_loop3A_211 = arith.index_cast %parallel_loop3A_179 : i32 to index
      %parallel_loop3A_212 = arith.constant 48 : index
      %parallel_loop3A_213 = tpu.vector_load %arg9[%parallel_loop3A_211, %parallel_loop3A_212] {strides = array<i32>} : memref<80x128xf32, #tpu.memory_space<vmem>>, vector<1x16xf32>,
      %parallel_loop3A_214 = vector.shape_cast %parallel_loop3A_213 : vector<1x16xf32> to vector<16xf32>
      %parallel_loop3A_215 = vector.shape_cast %parallel_loop3A_210 : vector<16xf32> to vector<1x16xf32>
      tpu.vector_store %arg9[%parallel_loop3A_211, %parallel_loop3A_212], %parallel_loop3A_215 {add = true, strides = array<i32>} : memref<80x128xf32, #tpu.memory_space<vmem>>, vector<1x16xf32>,
      %parallel_loop3A_216 = arith.index_cast %parallel_loop3A_179 : i32 to index
      %parallel_loop3A_217 = arith.constant 64 : index
      %parallel_loop3A_218 = tpu.vector_load %arg13[%parallel_loop3A_216, %parallel_loop3A_217] {strides = array<i32>} : memref<80x128xf32, #tpu.memory_space<vmem>>, vector<1x16xf32>,
      %parallel_loop3A_219 = vector.shape_cast %parallel_loop3A_218 : vector<1x16xf32> to vector<16xf32>
      %parallel_loop3A_220 = arith.index_cast %parallel_loop3A_179 : i32 to index
      %parallel_loop3A_221 = arith.constant 64 : index
      %parallel_loop3A_222 = tpu.vector_load %arg9[%parallel_loop3A_220, %parallel_loop3A_221] {strides = array<i32>} : memref<80x128xf32, #tpu.memory_space<vmem>>, vector<1x16xf32>,
      %parallel_loop3A_223 = vector.shape_cast %parallel_loop3A_222 : vector<1x16xf32> to vector<16xf32>
      %parallel_loop3A_224 = vector.shape_cast %parallel_loop3A_219 : vector<16xf32> to vector<1x16xf32>
      tpu.vector_store %arg9[%parallel_loop3A_220, %parallel_loop3A_221], %parallel_loop3A_224 {add = true, strides = array<i32>} : memref<80x128xf32, #tpu.memory_space<vmem>>, vector<1x16xf32>,
      %parallel_loop3A_225 = arith.index_cast %parallel_loop3A_179 : i32 to index
      %parallel_loop3A_226 = arith.constant 80 : index
      %parallel_loop3A_227 = tpu.vector_load %arg13[%parallel_loop3A_225, %parallel_loop3A_226] {strides = array<i32>} : memref<80x128xf32, #tpu.memory_space<vmem>>, vector<1x16xf32>,
      %parallel_loop3A_228 = vector.shape_cast %parallel_loop3A_227 : vector<1x16xf32> to vector<16xf32>
      %parallel_loop3A_229 = arith.index_cast %parallel_loop3A_179 : i32 to index
      %parallel_loop3A_230 = arith.constant 80 : index
      %parallel_loop3A_231 = tpu.vector_load %arg9[%parallel_loop3A_229, %parallel_loop3A_230] {strides = array<i32>} : memref<80x128xf32, #tpu.memory_space<vmem>>, vector<1x16xf32>,
      %parallel_loop3A_232 = vector.shape_cast %parallel_loop3A_231 : vector<1x16xf32> to vector<16xf32>
      %parallel_loop3A_233 = vector.shape_cast %parallel_loop3A_228 : vector<16xf32> to vector<1x16xf32>
      tpu.vector_store %arg9[%parallel_loop3A_229, %parallel_loop3A_230], %parallel_loop3A_233 {add = true, strides = array<i32>} : memref<80x128xf32, #tpu.memory_space<vmem>>, vector<1x16xf32>,
      %parallel_loop3A_234 = arith.index_cast %parallel_loop3A_179 : i32 to index
      %parallel_loop3A_235 = arith.constant 96 : index
      %parallel_loop3A_236 = tpu.vector_load %arg13[%parallel_loop3A_234, %parallel_loop3A_235] {strides = array<i32>} : memref<80x128xf32, #tpu.memory_space<vmem>>, vector<1x16xf32>,
      %parallel_loop3A_237 = vector.shape_cast %parallel_loop3A_236 : vector<1x16xf32> to vector<16xf32>
      %parallel_loop3A_238 = arith.index_cast %parallel_loop3A_179 : i32 to index
      %parallel_loop3A_239 = arith.constant 96 : index
      %parallel_loop3A_240 = tpu.vector_load %arg9[%parallel_loop3A_238, %parallel_loop3A_239] {strides = array<i32>} : memref<80x128xf32, #tpu.memory_space<vmem>>, vector<1x16xf32>,
      %parallel_loop3A_241 = vector.shape_cast %parallel_loop3A_240 : vector<1x16xf32> to vector<16xf32>
      %parallel_loop3A_242 = vector.shape_cast %parallel_loop3A_237 : vector<16xf32> to vector<1x16xf32>
      tpu.vector_store %arg9[%parallel_loop3A_238, %parallel_loop3A_239], %parallel_loop3A_242 {add = true, strides = array<i32>} : memref<80x128xf32, #tpu.memory_space<vmem>>, vector<1x16xf32>,
      %parallel_loop3A_243 = arith.index_cast %parallel_loop3A_179 : i32 to index
      %parallel_loop3A_244 = arith.constant 112 : index
      %parallel_loop3A_245 = tpu.vector_load %arg13[%parallel_loop3A_243, %parallel_loop3A_244] {strides = array<i32>} : memref<80x128xf32, #tpu.memory_space<vmem>>, vector<1x16xf32>,
      %parallel_loop3A_246 = vector.shape_cast %parallel_loop3A_245 : vector<1x16xf32> to vector<16xf32>
      %parallel_loop3A_247 = arith.index_cast %parallel_loop3A_179 : i32 to index
      %parallel_loop3A_248 = arith.constant 112 : index
      %parallel_loop3A_249 = tpu.vector_load %arg9[%parallel_loop3A_247, %parallel_loop3A_248] {strides = array<i32>} : memref<80x128xf32, #tpu.memory_space<vmem>>, vector<1x16xf32>,
      %parallel_loop3A_250 = vector.shape_cast %parallel_loop3A_249 : vector<1x16xf32> to vector<16xf32>
      %parallel_loop3A_251 = vector.shape_cast %parallel_loop3A_246 : vector<16xf32> to vector<1x16xf32>
      tpu.vector_store %arg9[%parallel_loop3A_247, %parallel_loop3A_248], %parallel_loop3A_251 {add = true, strides = array<i32>} : memref<80x128xf32, #tpu.memory_space<vmem>>, vector<1x16xf32>,
    } {sc.loop_unroll_factor = 2 : i64, sc.parallel_access}
    %add3A_157 = arith.constant 9920 : i32
    %add3A_158 = arith.addi %mul3A_2, %add3A_157 : i32
    %dma_start3A_159 = arith.constant 0 : i32
    %dma_start3A_160 = tpu.memref_slice %arg6[%add3A_158, %dma_start3A_159] : memref<320000x128xf32, #tpu.memory_space<hbm>> -> memref<80x128xf32, #tpu.memory_space<hbm>>
    %dma_start3A_161 = arith.constant 0 : i32
    %dma_start3A_162 = tpu.memref_slice %arg6[%add3A_158, %dma_start3A_161] : memref<320000x128xf32, #tpu.memory_space<hbm>> -> memref<80x128xf32, #tpu.memory_space<hbm>>
    tpu.enqueue_dma source(%arg9 : memref<80x128xf32, #tpu.memory_space<vmem>>) target(%dma_start3A_162 : memref<80x128xf32, #tpu.memory_space<hbm>>) target_semaphore(%arg21 : memref<!tpu.dma_semaphore, #tpu.memory_space<semaphore_mem>>)
    %dma_wait3A_163 = arith.constant 0 : i32
    %dma_wait3A_164 = tpu.memref_slice %arg6[%mul3A_2, %dma_wait3A_163] : memref<320000x128xf32, #tpu.memory_space<hbm>> -> memref<80x128xf32, #tpu.memory_space<hbm>>
    %dma_wait3A_165 = arith.constant 0 : i32
    %dma_wait3A_166 = tpu.memref_slice %arg6[%mul3A_2, %dma_wait3A_165] : memref<320000x128xf32, #tpu.memory_space<hbm>> -> memref<80x128xf32, #tpu.memory_space<hbm>>
    tpu.wait_dma2 semaphore(%arg21 : memref<!tpu.dma_semaphore, #tpu.memory_space<semaphore_mem>>) src(%arg9 : memref<80x128xf32, #tpu.memory_space<vmem>>) dst(%dma_wait3A_166 : memref<80x128xf32, #tpu.memory_space<hbm>>)
    %dma_wait3A_167 = arith.constant 0 : i32
    %dma_wait3A_168 = tpu.memref_slice %arg6[%mul3A_2, %dma_wait3A_167] : memref<320000x128xf32, #tpu.memory_space<hbm>> -> memref<80x128xf32, #tpu.memory_space<hbm>>
    %dma_wait3A_169 = arith.constant 0 : i32
    %dma_wait3A_170 = tpu.memref_slice %arg6[%mul3A_2, %dma_wait3A_169] : memref<320000x128xf32, #tpu.memory_space<hbm>> -> memref<80x128xf32, #tpu.memory_space<hbm>>
    tpu.wait_dma2 semaphore(%arg22 : memref<!tpu.dma_semaphore, #tpu.memory_space<semaphore_mem>>) src(%arg10 : memref<80x128xf32, #tpu.memory_space<vmem>>) dst(%dma_wait3A_170 : memref<80x128xf32, #tpu.memory_space<hbm>>)
    %dma_wait3A_171 = arith.constant 0 : i32
    %dma_wait3A_172 = tpu.memref_slice %arg6[%mul3A_2, %dma_wait3A_171] : memref<320000x128xf32, #tpu.memory_space<hbm>> -> memref<80x128xf32, #tpu.memory_space<hbm>>
    %dma_wait3A_173 = arith.constant 0 : i32
    %dma_wait3A_174 = tpu.memref_slice %arg6[%mul3A_2, %dma_wait3A_173] : memref<320000x128xf32, #tpu.memory_space<hbm>> -> memref<80x128xf32, #tpu.memory_space<hbm>>
    tpu.wait_dma2 semaphore(%arg23 : memref<!tpu.dma_semaphore, #tpu.memory_space<semaphore_mem>>) src(%arg11 : memref<80x128xf32, #tpu.memory_space<vmem>>) dst(%dma_wait3A_174 : memref<80x128xf32, #tpu.memory_space<hbm>>)
    %dma_wait3A_175 = arith.constant 0 : i32
    %dma_wait3A_176 = tpu.memref_slice %arg6[%mul3A_2, %dma_wait3A_175] : memref<320000x128xf32, #tpu.memory_space<hbm>> -> memref<80x128xf32, #tpu.memory_space<hbm>>
    %dma_wait3A_177 = arith.constant 0 : i32
    %dma_wait3A_178 = tpu.memref_slice %arg6[%mul3A_2, %dma_wait3A_177] : memref<320000x128xf32, #tpu.memory_space<hbm>> -> memref<80x128xf32, #tpu.memory_space<hbm>>
    tpu.wait_dma2 semaphore(%arg24 : memref<!tpu.dma_semaphore, #tpu.memory_space<semaphore_mem>>) src(%arg12 : memref<80x128xf32, #tpu.memory_space<vmem>>) dst(%dma_wait3A_178 : memref<80x128xf32, #tpu.memory_space<hbm>>)
    return
  }
}

module attributes {stable_mosaic.version = 14 : i64} {
  func.func @_proj_body(%arg0: i32, %arg1: memref<1000x128xf32, #tpu.memory_space<vmem>>, %arg2: memref<128x128xf32, #tpu.memory_space<vmem>>, %arg3: memref<128x128xf32, #tpu.memory_space<vmem>>, %arg4: memref<1000x128xf32, #tpu.memory_space<vmem>>, %arg5: memref<1000x128xf32, #tpu.memory_space<vmem>>) attributes {dimension_semantics = [#tpu.dimension_semantics<arbitrary>], iteration_bounds = array<i64: 10>, scalar_prefetch = 0 : i64, scratch_operands = 0 : i64, tpu.core_type = #tpu.core_type<tc>, window_params = [{transform_indices = @transform_0, window_bounds = array<i64: 1000, 128>}, {pipeline_mode = #tpu.pipeline_mode<synchronous>, transform_indices = @transform_1, window_bounds = array<i64: 128, 128>}, {pipeline_mode = #tpu.pipeline_mode<synchronous>, transform_indices = @transform_2, window_bounds = array<i64: 128, 128>}, {transform_indices = @transform_3, window_bounds = array<i64: 1000, 128>}, {transform_indices = @transform_4, window_bounds = array<i64: 1000, 128>}]} {
    %get3A = arith.constant 0 : index
    %get3A_0 = arith.constant 0 : index
    %get3A_1 = vector.load %arg1[%get3A, %get3A_0] : memref<1000x128xf32, #tpu.memory_space<vmem>>, vector<1000x128xf32>
    %get3A_2 = arith.constant 0 : index
    %get3A_3 = arith.constant 0 : index
    %get3A_4 = vector.load %arg2[%get3A_2, %get3A_3] : memref<128x128xf32, #tpu.memory_space<vmem>>, vector<128x128xf32>
    %dot_general3A = arith.constant dense<0.000000e+00> : vector<1000x128xf32>
    %dot_general3A_5 = tpu.matmul %get3A_1, %get3A_4, %dot_general3A {dimension_numbers = #tpu.dot_dimension_numbers<[1], [0], [0], [1], [0, 0, 1, 1], [], []>, transpose_lhs_hint = false} : vector<1000x128xf32>, vector<128x128xf32>, vector<1000x128xf32> -> vector<1000x128xf32>
    %swap3A = arith.constant 0 : index
    %swap3A_6 = arith.constant 0 : index
    %swap3A_7 = vector.load %arg4[%swap3A, %swap3A_6] : memref<1000x128xf32, #tpu.memory_space<vmem>>, vector<1000x128xf32>
    tpu.vector_store %arg4[%swap3A, %swap3A_6], %dot_general3A_5 {strides = array<i32>} : memref<1000x128xf32, #tpu.memory_space<vmem>>, vector<1000x128xf32>,
    %get3A_8 = arith.constant 0 : index
    %get3A_9 = arith.constant 0 : index
    %get3A_10 = vector.load %arg3[%get3A_8, %get3A_9] : memref<128x128xf32, #tpu.memory_space<vmem>>, vector<128x128xf32>
    %dot_general3A_11 = arith.constant dense<0.000000e+00> : vector<1000x128xf32>
    %dot_general3A_12 = tpu.matmul %get3A_1, %get3A_10, %dot_general3A_11 {dimension_numbers = #tpu.dot_dimension_numbers<[1], [0], [0], [1], [0, 0, 1, 1], [], []>, transpose_lhs_hint = false} : vector<1000x128xf32>, vector<128x128xf32>, vector<1000x128xf32> -> vector<1000x128xf32>
    %swap3A_13 = arith.constant 0 : index
    %swap3A_14 = arith.constant 0 : index
    %swap3A_15 = vector.load %arg5[%swap3A_13, %swap3A_14] : memref<1000x128xf32, #tpu.memory_space<vmem>>, vector<1000x128xf32>
    tpu.vector_store %arg5[%swap3A_13, %swap3A_14], %dot_general3A_12 {strides = array<i32>} : memref<1000x128xf32, #tpu.memory_space<vmem>>, vector<1000x128xf32>,
    return
  }
  func.func @transform_0(%arg0: i32) -> (i32, i32) {
    %c0_i32 = arith.constant 0 : i32
    %c0_i32_0 = arith.constant 0 : i32
    return %arg0, %c0_i32 : i32, i32
  }
  func.func @transform_1(%arg0: i32) -> (i32, i32) {
    %c0_i32 = arith.constant 0 : i32
    %c0_i32_0 = arith.constant 0 : i32
    %c0_i32_1 = arith.constant 0 : i32
    return %c0_i32, %c0_i32_0 : i32, i32
  }
  func.func @transform_2(%arg0: i32) -> (i32, i32) {
    %c0_i32 = arith.constant 0 : i32
    %c0_i32_0 = arith.constant 0 : i32
    %c0_i32_1 = arith.constant 0 : i32
    return %c0_i32, %c0_i32_0 : i32, i32
  }
  func.func @transform_3(%arg0: i32) -> (i32, i32) {
    %c0_i32 = arith.constant 0 : i32
    %c0_i32_0 = arith.constant 0 : i32
    return %arg0, %c0_i32 : i32, i32
  }
  func.func @transform_4(%arg0: i32) -> (i32, i32) {
    %c0_i32 = arith.constant 0 : i32
    %c0_i32_0 = arith.constant 0 : i32
    return %arg0, %c0_i32 : i32, i32
  }
}

module attributes {stable_mosaic.version = 14 : i64} {
  func.func @_final_body(%arg0: i32, %arg1: memref<3200x128xf32, #tpu.memory_space<vmem>>, %arg2: memref<3200x16xf32, #tpu.memory_space<vmem>>, %arg3: memref<16x128xf32, #tpu.memory_space<vmem>>, %arg4: memref<1x128xf32, #tpu.memory_space<vmem>>, %arg5: memref<3200x128xf32, #tpu.memory_space<vmem>>) attributes {dimension_semantics = [#tpu.dimension_semantics<arbitrary>], iteration_bounds = array<i64: 100>, scalar_prefetch = 0 : i64, scratch_operands = 0 : i64, tpu.core_type = #tpu.core_type<tc>, window_params = [{transform_indices = @transform_0, window_bounds = array<i64: 3200, 128>}, {transform_indices = @transform_1, window_bounds = array<i64: 3200, 16>}, {pipeline_mode = #tpu.pipeline_mode<synchronous>, transform_indices = @transform_2, window_bounds = array<i64: 16, 128>}, {pipeline_mode = #tpu.pipeline_mode<synchronous>, transform_indices = @transform_3, window_bounds = array<i64: 1, 128>}, {transform_indices = @transform_4, window_bounds = array<i64: 3200, 128>}]} {
    %get3A = arith.constant 0 : index
    %get3A_0 = arith.constant 0 : index
    %get3A_1 = vector.load %arg1[%get3A, %get3A_0] : memref<3200x128xf32, #tpu.memory_space<vmem>>, vector<3200x128xf32>
    %get3A_2 = arith.constant 0 : index
    %get3A_3 = arith.constant 0 : index
    %get3A_4 = vector.load %arg2[%get3A_2, %get3A_3] : memref<3200x16xf32, #tpu.memory_space<vmem>>, vector<3200x16xf32>
    %get3A_5 = arith.constant 0 : index
    %get3A_6 = arith.constant 0 : index
    %get3A_7 = vector.load %arg3[%get3A_5, %get3A_6] : memref<16x128xf32, #tpu.memory_space<vmem>>, vector<16x128xf32>
    %dot_general3A = arith.constant dense<0.000000e+00> : vector<3200x128xf32>
    %dot_general3A_8 = tpu.matmul %get3A_4, %get3A_7, %dot_general3A {dimension_numbers = #tpu.dot_dimension_numbers<[1], [0], [0], [1], [0, 0, 1, 1], [], []>, transpose_lhs_hint = false} : vector<3200x16xf32>, vector<16x128xf32>, vector<3200x128xf32> -> vector<3200x128xf32>
    %add3A = arith.addf %get3A_1, %dot_general3A_8 : vector<3200x128xf32>
    %get3A_9 = arith.constant 0 : index
    %get3A_10 = arith.constant 0 : index
    %get3A_11 = vector.load %arg4[%get3A_9, %get3A_10] : memref<1x128xf32, #tpu.memory_space<vmem>>, vector<1x128xf32>
    %add3A_12 = vector.broadcast %get3A_11 : vector<1x128xf32> to vector<3200x128xf32>
    %add3A_13 = arith.addf %add3A, %add3A_12 : vector<3200x128xf32>
    %swap3A = arith.constant 0 : index
    %swap3A_14 = arith.constant 0 : index
    %swap3A_15 = vector.load %arg5[%swap3A, %swap3A_14] : memref<3200x128xf32, #tpu.memory_space<vmem>>, vector<3200x128xf32>
    tpu.vector_store %arg5[%swap3A, %swap3A_14], %add3A_13 {strides = array<i32>} : memref<3200x128xf32, #tpu.memory_space<vmem>>, vector<3200x128xf32>,
    return
  }
  func.func @transform_0(%arg0: i32) -> (i32, i32) {
    %c0_i32 = arith.constant 0 : i32
    %c0_i32_0 = arith.constant 0 : i32
    return %arg0, %c0_i32 : i32, i32
  }
  func.func @transform_1(%arg0: i32) -> (i32, i32) {
    %c0_i32 = arith.constant 0 : i32
    %c0_i32_0 = arith.constant 0 : i32
    return %arg0, %c0_i32 : i32, i32
  }
  func.func @transform_2(%arg0: i32) -> (i32, i32) {
    %c0_i32 = arith.constant 0 : i32
    %c0_i32_0 = arith.constant 0 : i32
    %c0_i32_1 = arith.constant 0 : i32
    return %c0_i32, %c0_i32_0 : i32, i32
  }
  func.func @transform_3(%arg0: i32) -> (i32, i32) {
    %c0_i32 = arith.constant 0 : i32
    %c0_i32_0 = arith.constant 0 : i32
    %c0_i32_1 = arith.constant 0 : i32
    return %c0_i32, %c0_i32_0 : i32, i32
  }
  func.func @transform_4(%arg0: i32) -> (i32, i32) {
    %c0_i32 = arith.constant 0 : i32
    %c0_i32_0 = arith.constant 0 : i32
    return %arg0, %c0_i32 : i32, i32
  }
}

</mosaic_0001>

<sc_bundles>
// kernel: kernel.5.cloned.1.call-start
scs
__scs_entry_jumppad:
0x0: {  	(pc) =	sbr.rel $0x88, $3  }
0x1: {  	(tag) =	ssettag $0x0;
	lr =	simm.s32 $0x1  }
0x2: {  	[smem:$0x3F9C] =	sst lr;
	_ =	strace $0xD0000000  }
0x3: {  	_ = 	snop  }
0x4: {  	_ = 	snop  }
0x5: {  	_ = 	snop  }
0x6: {  	_ = 	snop  }
0x7: {  	_ = 	snop  }
__scs_overlays_trampoline_lowered:
0x8: {  	[smem:$0x3FAB] =	sst s0  }
0x9: {  	[smem:$0x3FAC] =	sst s1  }
0xa: {  	[smem:$0x3FAD] =	sst s2  }
0xb: {  	[smem:$0x3FAE] =	sst s3  }
0xc: {  	[smem:$0x3FAF] =	sst s4  }
0xd: {  	[smem:$0x3FB0] =	sst s5  }
0xe: {  	[smem:$0x3FB1] =	sst s6  }
0xf: {  	[smem:$0x3FB2] =	sst s7  }
0x10: {  	[smem:$0x3FB3] =	sst s8  }
0x11: {  	[smem:$0x3FB4] =	sst s9;
	s0 =	simm.s32 @!p0 $0x0  }
0x12: {  	s1 =	sld [smem:$0x3F9A];
	s0 =	simm.s32 @p0 $0x1  }
0x13: {  	[smem:$0x3FB5] =	sst s0;
	s0 =	simm.s32 @!p1 $0x0  }
0x14: {  	s2 =	sld [smem:$0x3F99];
	s0 =	simm.s32 @p1 $0x1  }
0x15: {  	[smem:$0x3FB6] =	sst s0;
	s0 =	simm.s32 @!p2 $0x0  }
0x16: {  	s3 =	sld [smem:$0x3FDB];
	s0 =	simm.s32 @p2 $0x1  }
0x17: {  	s4 =	simm.s32 $0x1BF5;
	[smem:$0x3FB8] =	sst s0  }
0x18: {  	s0 =	sld [smem:$0x3F9B];
	_ =	swait.ge [sflag:s4], $0x0  }
0x19: {  	s7 =	sld [smem:$0x3F9C]  }
0x1a: {  	s8 =	sadd.s32 $0xFFFFE003, lr  }
0x1b: {  	s9 =	sadd.s32 $0xFFFFFEF7, lr;
	s5 =	simm.s32 $0xFFFFFFFF;
	p2 =	slt.u32 s8, $0xFFFFF086  }
0x1c: {  	p1 =	slt.u32 s9, $0xF7A;
	s5 =	simm.s32 @!p2 $0x0  }
0x1d: {  	s5 =	simm.s32 @p1 $0x1;
	p0 =	seq.s32 s7, s2  }
0x1e: {  	s7 =	smul.u32 @!p0 $0xF7A, s2;
	p2 =	seq.s32 @!p0 s5, $0x0  }
0x1f: {  	s9 =	smul.u32 $0xF7A, s1;
	s8 =	simm.s32 @!p0 $0x1BF5;
	p2 =	por !p2, p0  }
0x20: {  	[sflag:s8] =	ssyncset.s32 @!p0 $0xFFFFF086;
	s6 =	sadd.s32 @!p0 s3, s7;
	s7 =	simm.s32 @!p0 $0x108  }
0x21: {  	s3 =	sadd.s32 s3, s9;
	s6 =	sadd.s32 @!p0 $0x88, s6;
	s7 =	simm.s32 @p2 $0x1082  }
0x22: {  	[simem:s7], [sflag:s8] =	dma.local @!p0 [hbm:s6], $0xF7A  }
0x23: {  	s9 =	sor.u32 $0xD0000000, s2;
	s6 =	simm.s32 $0x108;
	_ =	swait.ge @!p0 [sflag:s8], $0x0  }
0x24: {  	s3 =	sadd.s32 $0x88, s3;
	s6 =	simm.s32 @!p1 $0x1082;
	[sflag:s4] =	ssyncset.s32 $0xFFFFF086  }
0x25: {  	[simem:s6], [sflag:s4] =	dma.local [hbm:s3], $0xF7A  }
0x26: {  	[smem:$0x3F9C] =	sst s1;
	(tag) =	ssettag s2;
	_ =	strace s9  }
0x27: {  	s1 =	sld [smem:$0x3FAC]  }
0x28: {  	s2 =	sld [smem:$0x3FAD]  }
0x29: {  	s4 =	sld [smem:$0x3FAF]  }
0x2a: {  	p0 =	seq.s32 s5, $0x0;
	s5 =	sld [smem:$0x3FB0]  }
0x2b: {  	s6 =	sld [smem:$0x3FB1]  }
0x2c: {  	s7 =	sld [smem:$0x3FB2]  }
0x2d: {  	s3 =	simm.s32 $0x108;
	s8 =	sld [smem:$0x3FB3]  }
0x2e: {  	s3 =	simm.s32 @!p0 $0x1082;
	s9 =	sld [smem:$0x3FB4]  }
0x2f: {  	lr =	sadd.s32 s0, s3;
	s0 =	sld [smem:$0x3FAB]  }
0x30: {  	s3 =	sld [smem:$0x3FAE]  }
0x31: {  	[smem:$0x3FB7] =	sst s10  }
0x32: {  	s10 =	sld [smem:$0x3FB5];
	_ =	sdelay $0x3  }
0x33: {  	p0 =	seq.s32 s10, $0x1;
	s10 =	sld [smem:$0x3FB7];
	_ =	sdelay $0x3  }
0x34: {  	[smem:$0x3FB7] =	sst s10  }
0x35: {  	s10 =	sld [smem:$0x3FB6];
	_ =	sdelay $0x3  }
0x36: {  	p1 =	seq.s32 s10, $0x1;
	s10 =	sld [smem:$0x3FB7];
	_ =	sdelay $0x3  }
0x37: {  	[smem:$0x3FB7] =	sst s10  }
0x38: {  	s10 =	sld [smem:$0x3FB8]  }
0x39: {  	_ = 	snop;
	(pc) =	sbr.ind lr, $3  }
0x3a: {  	_ = 	snop  }
0x3b: {  	_ = 	snop  }
0x3c: {  	p2 =	seq.s32 s10, $0x1;
	s10 =	sld [smem:$0x3FB7]  }
0x3d: {  	_ =	shalt  }
0x3e: {  	_ =	shalt  }
0x3f: {  	_ =	shalt  }
0x40: {  	_ =	shalt  }
0x41: {  	_ =	shalt  }
0x42: {  	_ =	shalt  }
0x43: {  	_ =	shalt  }
0x44: {  	_ =	shalt  }
0x45: {  	_ =	shalt  }
0x46: {  	_ =	shalt  }
0x47: {  	_ =	shalt  }
0x48: {  	_ =	shalt  }
0x49: {  	_ =	shalt  }
0x4a: {  	_ =	shalt  }
0x4b: {  	_ =	shalt  }
0x4c: {  	_ =	shalt  }
0x4d: {  	_ =	shalt  }
0x4e: {  	_ =	shalt  }
0x4f: {  	_ =	shalt  }
0x50: {  	_ =	shalt  }
0x51: {  	_ =	shalt  }
0x52: {  	_ =	shalt  }
0x53: {  	_ =	shalt  }
0x54: {  	_ =	shalt  }
0x55: {  	_ =	shalt  }
0x56: {  	_ =	shalt  }
0x57: {  	_ =	shalt  }
0x58: {  	_ =	shalt  }
0x59: {  	_ =	shalt  }
0x5a: {  	_ =	shalt  }
0x5b: {  	_ =	shalt  }
0x5c: {  	_ =	shalt  }
0x5d: {  	_ =	shalt  }
0x5e: {  	_ =	shalt  }
0x5f: {  	_ =	shalt  }
0x60: {  	_ =	shalt  }
0x61: {  	_ =	shalt  }
0x62: {  	_ =	shalt  }
0x63: {  	_ =	shalt  }
0x64: {  	_ =	shalt  }
0x65: {  	_ =	shalt  }
0x66: {  	_ =	shalt  }
0x67: {  	_ =	shalt  }
0x68: {  	_ =	shalt  }
0x69: {  	_ =	shalt  }
0x6a: {  	_ =	shalt  }
0x6b: {  	_ =	shalt  }
0x6c: {  	_ =	shalt  }
0x6d: {  	_ =	shalt  }
0x6e: {  	_ =	shalt  }
0x6f: {  	_ =	shalt  }
0x70: {  	_ =	shalt  }
0x71: {  	_ =	shalt  }
0x72: {  	_ =	shalt  }
0x73: {  	_ =	shalt  }
0x74: {  	_ =	shalt  }
0x75: {  	_ =	shalt  }
0x76: {  	_ =	shalt  }
0x77: {  	_ =	shalt  }
0x78: {  	_ =	shalt  }
0x79: {  	_ =	shalt  }
0x7a: {  	_ =	shalt  }
0x7b: {  	_ =	shalt  }
0x7c: {  	_ =	shalt  }
0x7d: {  	_ =	shalt  }
0x7e: {  	_ =	shalt  }
0x7f: {  	_ =	shalt  }
0x80: {  	_ =	shalt  }
0x81: {  	_ =	shalt  }
0x82: {  	_ =	shalt  }
0x83: {  	_ =	shalt  }
0x84: {  	_ =	shalt  }
0x85: {  	_ =	shalt  }
0x86: {  	_ =	shalt  }
0x87: {  	_ =	shalt  }
.Lfunc_end0:
.L_simem_size_0:
called_computation_lowered:
.L_overlay_start_0:
0x88: {  	s2 =	sld [smem:$0x3FD9]  }
0x89: {  	s3 =	sld [smem:$0x3FFE];
	_ =	sdelay $0x1  }
0x8a: {  	s1 =	srdreg.scid  }
0x8b: {  	s0 =	sand.u32 $0x1, s1  }
0x8c: {  	s17 =	sshll.u32 s0, $0xA;
	s2 =	sadd.s32 s3, s2  }
0x8d: {  	s2 =	sadd.s32 s2, s17  }
0x8e: {  	[smem:$0x3FC3] =	sst s2  }
0x8f: {  	_ = 	snop  }
0x90: {  	s2 =	sld [smem:$0x3FD0];
	(tm) =	ssettm $0x1  }
0x91: {  	s18 =	sld [smem:$0x3FFB];
	_ =	sdelay $0x3  }
0x92: {  	_ =	strace s18  }
0x93: {  	s3 =	sld [smem:$0x3FFC];
	_ =	sdelay $0x3  }
0x94: {  	_ =	strace s3  }
0x95: {  	s3 =	sld [smem:$0x3FFD];
	_ =	sdelay $0x3  }
0x96: {  	_ =	strace s3  }
0x97: {  	_ =	strace $0x8FFFFFFF  }
0x98: {  	s19 =	sld [smem:$0x3FDB];
	_ =	sdelay $0x1  }
0x99: {  	s4 =	simm.s32 $_scs_section_size  }
0x9a: {  	s5 =	simm.s32 $_size__tile_overlayer_lowered;
	s6 =	simm.s32 $_tile_overlayer_lowered  }
0x9b: {  	s22 =	simm.s32 $0x1BFF;
	s21 =	sshll.u32 s6, $0x1;
	s3 =	sadd.s32 s4, s19  }
0x9c: {  	s7 =	simm.s32 $0x0;
	s20 =	sshll.u32 s5, $0x1;
	s5 =	sadd.s32 s21, s3  }
0x9d: {  	[timem:s7], [sflag:s22] =	dma.local [hbm:s5], s20  }
0x9e: {  	_ =	swait.ge [sflag:s22], s20  }
0x9f: {  	s4 =	ssub.s32 $0x0, s20;
	[sflag:s22] =	ssyncset.done $0x0  }
0xa0: {  	[sflag:s22] =	ssyncadd.s32 s4;
	_ =	sdelay $0x1  }
0xa1: {  	s23 =	simm.s32 $0x1B8B  }
0xa2: {  	_ =	swait.ge [sflag:s23], $0x1  }
0xa3: {  	[sflag:s23] =	ssyncset.done $0x0  }
0xa4: {  	s25 =	simm.s32 $0x1B8E;
	s24 =	sld [smem:$0x3FFE];
	[sflag:s23] =	ssyncadd.s32 $0xFFFFFFFF  }
0xa5: {  	s26 =	simm.s32 $execute0_lowered;
	[smem:$0x3FD2] =	sst s25  }
0xa6: {  	s5 =	sshll.u32 s26, $0x1;
	_ =	strace $0x80000046;
	[dreg:$0x1] =	wrdreg $0xFFFFFFFF  }
0xa7: {  	s28 =	simm.s32 $_size_execute0_lowered;
	s3 =	sadd.s32 s3, s5;
	[dreg:$0x0] =	wrdreg $0x0  }
0xa8: {  	s5 =	sshll.u32 s28, $0x1;
	[dreg:$0x2] =	wrdreg s3  }
0xa9: {  	[dreg:$0x3] =	wrdreg s5  }
0xaa: {  	[dreg:$0x4] =	wrdreg $0xC0  }
0xab: {  	_ =	task [dreg:s7], $0x5FFFF  }
0xac: {  	[dreg:$0x1] =	wrdreg $0xFFFFFFFF  }
0xad: {  	[dreg:$0x0] =	wrdreg $0x60  }
0xae: {  	[dreg:$0x2] =	wrdreg s2  }
0xaf: {  	[dreg:$0x3] =	wrdreg s24  }
0xb0: {  	[dreg:$0x4] =	wrdreg $0x9  }
0xb1: {  	_ =	task.clear_ibuf [dreg:s7], $0x5FFFF;
	_ =	strace $0x90000046  }
0xb2: {  	s29 =	simm.s32 $0x9;
	_ =	strace $0x80000048  }
0xb3: {  	_ =	swait.ge [sflag:s29], $0x1  }
0xb4: {  	[sflag:s29] =	ssyncadd.s32 $0xFFFFFFFF  }
0xb5: {  	_ =	strace $0x90000048  }
0xb6: {  	_ =	sfence  }
0xb7: {  	s30 =	sld [smem:$0x0];
	_ =	sdelay $0x2  }
0xb8: {  	s31 =	sshll.u32 s1, $0xD;
	s1 =	sshrl.u32 s1, $0x2  }
0xb9: {  	s3 =	sand.u32 $0x4000, s31;
	s1 =	sadd.s32 s1, s30  }
0xba: {  	s0 =	sor.u32 s3, s0;
	s1 =	sshll.u32 s1, $0x11  }
0xbb: {  	s0 =	sor.u32 s1, s0  }
0xbc: {  	s0 =	sadd.s32 $0x8F2B, s0  }
0xbd: {  	[sflag:s0] =	ssyncadd.remote.s32 $0x1  }
0xbe: {  	_ =	sfence.sel $0xFFFF  }
0xbf: {  	[dreg:$0x0] =	wrdreg $0xFFFFFFFF;
	(pc) =	sbr.abs _section_cstart, $3  }
0xc0: {  	[dreg:$0x1] =	wrdreg $0xFFFFFFFF  }
0xc1: {  	_ =	task.clear_ibuf [dreg:s7], $0x2FFFF;
	_ =	strace $0x9FFFFFFF  }
0xc2: {  	(tm) =	ssettm $0x7FFFFFFF  }
0xc3: {  	_ =	shalt  }
tec
execute0_lowered:
.L_overlay_start_1:
0x0: {  	(tag) =	ssettag $0x1  }
0x1: {  	s2 =	rddreg [dreg:$0x0];
	s0 =	srdreg.scid  }
0x2: {  	s3 =	stileid.u32;
	s1 =	rddreg [dreg:$0x1]  }
0x3: {  	s28 =	simm.s32 $0x9F00;
	s30 =	simm.s32 $0x13F00;
	s29 =	simm.s32 $0x5  }
0x4: {  	s31 =	simm.s32 $0x2;
	s19 =	simm.s32 $0x3;
	s12 =	simm.s32 $0x8  }
0x5: {  	s13 =	simm.s32 $0x0;
	s0 =	sand.u32 $0x1, s0;
	s4 =	sshll.u32 s3, $0x1  }
0x6: {  	s3 =	simm.s32 $0x0;
	s5 =	sadd.s32 $0x14400, s1;
	s6 =	sor.u32 s0, s4  }
0x7: {  	[smem:$0x7FF] =	sst s3;
	s0 =	ssub.s32 $0x2, s0;
	s4 =	smul.u32 $0x2710, s6  }
0x8: {  	_ =	strace $0x80000047;
	s8 =	sshrl.u32 s0, $0x1;
	s10 =	smul.u32 $0x138800, s6  }
0x9: {  	s6 =	sadd.s32 $0x3B600, s1;
	s0 =	ssub.s32 s0, s8;
	s7 =	sshrl.u32 s4, $0x3  }
0xa: {  	s8 =	simm.s32 $0x4;
	s0 =	smax.u32 s0, $0x1;
	s7 =	sadd.s32 s7, s1  }
0xb: {  	s22 =	sshrl.u32 s10, $0x3;
	[dreg:$0xa] =	wrdreg s0;
	s20 =	sadd.s32 $0xA600, s7  }
0xc: {  	s1 =	sadd.s32 s6, s22;
	s21 =	sadd.s32 $0x800, s7;
	[dreg:$0x3] =	wrdreg s20  }
0xd: {  	s9 =	sadd.s32 $0x50, s4;
	s23 =	sadd.s32 $0x25800, s1;
	[dreg:$0x4] =	wrdreg s21  }
0xe: {  	s10 =	sadd.s32 $0xA0, s4;
	s24 =	sadd.s32 $0x25D00, s1;
	[dreg:$0x5] =	wrdreg s23  }
0xf: {  	s11 =	sadd.s32 $0xF0, s4;
	s25 =	sadd.s32 $0x26200, s1;
	[dreg:$0x6] =	wrdreg s24  }
0x10: {  	s22 =	simm.s32 $0xEF00;
	s26 =	sadd.s32 $0x26700, s1;
	[dreg:$0x7] =	wrdreg s25  }
0x11: {  	s0 =	simm.s32 $0x6;
	s1 =	sadd.s32 $0x26C00, s1;
	[dreg:$0x8] =	wrdreg s26  }
0x12: {  	s7 =	simm.s32 $0x7;
	[dreg:$0x9] =	wrdreg s1;
	s20 =	simm.s32 $0x50  }
0x13: {  	s21 =	simm.s32 $0x4F00;
	s23 =	simm.s32 $0x7700;
	s25 =	simm.s32 $0x11700  }
0x14: {  	s1 =	simm.s32 $0xC700;
	s24 =	simm.s32 $0x16700;
	s26 =	simm.s32 $0x1  }
.LBB2_1:
0x15: {  	s14 =	rddreg [dreg:$0x3];
	s15 =	simm.s32 $0x9  }
0x16: {  	[tilespmem:s3], [sflag:$0x9] =	stream.linear.gather [hbm4b:s14+s3], $0x2710, $0x38;
	[tilespmem:$0x18F00] =	vst v63  }
0x17: {  	_ =	swait.ge [sflag:s15], $0x2710  }
0x18: {  	[sflag:s15] =	ssyncset.done $0x0  }
0x19: {  	s16 =	simm.s32 $0x2780;
	s17 =	rddreg [dreg:$0x4];
	[sflag:s15] =	ssyncadd.s32 $0xFFFFD8F0  }
0x1a: {  	[tilespmem:s16], [sflag:$0x9] =	stream.linear.gather [hbm4b:s17+s3], $0x2710, $0x38;
	[tilespmem:$0x18F00] =	vst v63  }
0x1b: {  	_ =	swait.ge [sflag:s15], $0x2710  }
0x1c: {  	[sflag:s15] =	ssyncset.done $0x0  }
0x1d: {  	[sflag:s15] =	ssyncadd.s32 $0xFFFFD8F0  }
0x1e: {  	[tilespmem:s21], [sflag:$0x1] =	stream.indirect.gather [hbm4b:s2+s20], $0x80, s3, s20, $0xb8;
	[tilespmem:$0x18F00] =	vst v63  }
0x1f: {  	_ = 	snop  }
0x20: {  	[tilespmem:s22], [sflag:$0x1] =	stream.indirect.gather [hbm4b:s5+s20], $0x80, s16, s20, $0xb8;
	[tilespmem:$0x18F00] =	vst v63  }
0x21: {  	_ = 	snop  }
0x22: {  	[tilespmem:s23], [sflag:$0x2] =	stream.indirect.gather [hbm4b:s2+s20], $0x80, s20, s20, $0xb8;
	[tilespmem:$0x18F00] =	vst v63  }
0x23: {  	s18 =	simm.s32 $0x27D0  }
0x24: {  	[tilespmem:s25], [sflag:$0x2] =	stream.indirect.gather [hbm4b:s5+s20], $0x80, s18, s20, $0xb8;
	[tilespmem:$0x18F00] =	vst v63  }
0x25: {  	s15 =	simm.s32 $0xA0  }
0x26: {  	[tilespmem:s28], [sflag:$0x3] =	stream.indirect.gather [hbm4b:s2+s20], $0x80, s15, s20, $0xb8;
	[tilespmem:$0x18F00] =	vst v63  }
0x27: {  	s16 =	simm.s32 $0x2820  }
0x28: {  	[tilespmem:s30], [sflag:$0x3] =	stream.indirect.gather [hbm4b:s5+s20], $0x80, s16, s20, $0xb8;
	[tilespmem:$0x18F00] =	vst v63  }
0x29: {  	s17 =	simm.s32 $0xF0  }
0x2a: {  	[tilespmem:s1], [sflag:$0x4] =	stream.indirect.gather [hbm4b:s2+s20], $0x80, s17, s20, $0xb8;
	[tilespmem:$0x18F00] =	vst v63  }
0x2b: {  	s14 =	simm.s32 $0x0;
	s18 =	simm.s32 $0x2870  }
0x2c: {  	[tilespmem:s24], [sflag:$0x4] =	stream.indirect.gather [hbm4b:s5+s20], $0x80, s18, s20, $0xb8;
	[tilespmem:$0x18F00] =	vst v63  }
.LBB2_2:
0x2d: {  	_ =	swait.ge [sflag:s26], $0x2800  }
0x2e: {  	[sflag:s26] =	ssyncset.done $0x0  }
0x2f: {  	[sflag:s26] =	ssyncadd.s32 $0xFFFFD800  }
0x30: {  	_ =	swait.ge [sflag:s26], $0x2800  }
0x31: {  	[sflag:s26] =	ssyncset.done $0x0  }
0x32: {  	s16 =	simm.s32 $0x0;
	[sflag:s26] =	ssyncadd.s32 $0xFFFFD800  }
0x33: {  	v0 =	vld [tilespmem:s16+$0xEFF0]  }
0x34: {  	v1 =	vld [tilespmem:s16+$0xEF00]  }
0x35: {  	v2 =	vld [tilespmem:s16+$0xEF10]  }
0x36: {  	v3 =	vld [tilespmem:s16+$0xEF20]  }
0x37: {  	v4 =	vld [tilespmem:s16+$0xEF30]  }
0x38: {  	v5 =	vld [tilespmem:s16+$0xEF40]  }
0x39: {  	v6 =	vld [tilespmem:s16+$0xEF50]  }
0x3a: {  	v7 =	vld [tilespmem:s16+$0xEF60]  }
0x3b: {  	v8 =	vld [tilespmem:s16+$0xEF70]  }
0x3c: {  	v9 =	vld [tilespmem:s16+$0xEF80]  }
0x3d: {  	v10 =	vld [tilespmem:s16+$0xEF90]  }
0x3e: {  	v11 =	vld [tilespmem:s16+$0xEFA0]  }
0x3f: {  	v12 =	vld [tilespmem:s16+$0xEFB0]  }
0x40: {  	v13 =	vld [tilespmem:s16+$0xEFC0]  }
0x41: {  	v14 =	vld [tilespmem:s16+$0xEFD0]  }
0x42: {  	[tilespmem:s16+$0x4FF0] =	vst.add.f32.msk $0xffff, v0  }
0x43: {  	v0 =	vld [tilespmem:s16+$0xEFE0]  }
0x44: {  	[tilespmem:s16+$0x4F00] =	vst.add.f32.msk $0xffff, v1  }
0x45: {  	[tilespmem:s16+$0x4F10] =	vst.add.f32.msk $0xffff, v2  }
0x46: {  	[tilespmem:s16+$0x4F20] =	vst.add.f32.msk $0xffff, v3  }
0x47: {  	[tilespmem:s16+$0x4F30] =	vst.add.f32.msk $0xffff, v4  }
0x48: {  	[tilespmem:s16+$0x4F40] =	vst.add.f32.msk $0xffff, v5  }
0x49: {  	[tilespmem:s16+$0x4F50] =	vst.add.f32.msk $0xffff, v6  }
0x4a: {  	[tilespmem:s16+$0x4F60] =	vst.add.f32.msk $0xffff, v7  }
0x4b: {  	[tilespmem:s16+$0x4F70] =	vst.add.f32.msk $0xffff, v8  }
0x4c: {  	[tilespmem:s16+$0x4F80] =	vst.add.f32.msk $0xffff, v9  }
0x4d: {  	[tilespmem:s16+$0x4F90] =	vst.add.f32.msk $0xffff, v10  }
0x4e: {  	[tilespmem:s16+$0x4FA0] =	vst.add.f32.msk $0xffff, v11  }
0x4f: {  	[tilespmem:s16+$0x4FB0] =	vst.add.f32.msk $0xffff, v12  }
0x50: {  	[tilespmem:s16+$0x4FC0] =	vst.add.f32.msk $0xffff, v13  }
0x51: {  	s15 =	simm.s32 $0x0;
	s17 =	simm.s32 $0x400;
	[tilespmem:s16+$0x4FD0] =	vst.add.f32.msk $0xffff, v14  }
.LBB2_3:
0x52: {  	s15 =	sadd.s32 $0x2, s15;
	[tilespmem:s16+$0x4FE0] =	vst.add.f32.msk $0xffff, v0;
	s16 =	sshra.s32 s17, $0x2  }
0x53: {  	v0 =	vld [tilespmem:s16+$0xEFF0];
	p0 =	slt.u32 s15, $0x4E  }
0x54: {  	v1 =	vld [tilespmem:s16+$0xEF00]  }
0x55: {  	v2 =	vld [tilespmem:s16+$0xEF10]  }
0x56: {  	v3 =	vld [tilespmem:s16+$0xEF20]  }
0x57: {  	v4 =	vld [tilespmem:s16+$0xEF30]  }
0x58: {  	[tilespmem:s16+$0x4FF0] =	vst.add.f32.msk $0xffff, v0  }
0x59: {  	v5 =	vld [tilespmem:s16+$0xEF40]  }
0x5a: {  	v6 =	vld [tilespmem:s16+$0xEF50]  }
0x5b: {  	v7 =	vld [tilespmem:s16+$0xEF60]  }
0x5c: {  	v8 =	vld [tilespmem:s16+$0xEF70]  }
0x5d: {  	v9 =	vld [tilespmem:s16+$0xEF80]  }
0x5e: {  	v10 =	vld [tilespmem:s16+$0xEF90]  }
0x5f: {  	v11 =	vld [tilespmem:s16+$0xEFA0]  }
0x60: {  	v12 =	vld [tilespmem:s16+$0xEFB0]  }
0x61: {  	v13 =	vld [tilespmem:s16+$0xEFC0]  }
0x62: {  	v14 =	vld [tilespmem:s16+$0xEFD0]  }
0x63: {  	v0 =	vld [tilespmem:s16+$0xEFE0]  }
0x64: {  	[tilespmem:s16+$0x4F00] =	vst.add.f32.msk $0xffff, v1  }
0x65: {  	[tilespmem:s16+$0x4F10] =	vst.add.f32.msk $0xffff, v2  }
0x66: {  	[tilespmem:s16+$0x4F20] =	vst.add.f32.msk $0xffff, v3  }
0x67: {  	[tilespmem:s16+$0x4F30] =	vst.add.f32.msk $0xffff, v4  }
0x68: {  	[tilespmem:s16+$0x4F40] =	vst.add.f32.msk $0xffff, v5  }
0x69: {  	[tilespmem:s16+$0x4F50] =	vst.add.f32.msk $0xffff, v6  }
0x6a: {  	[tilespmem:s16+$0x4F60] =	vst.add.f32.msk $0xffff, v7  }
0x6b: {  	[tilespmem:s16+$0x4F70] =	vst.add.f32.msk $0xffff, v8  }
0x6c: {  	[tilespmem:s16+$0x4F80] =	vst.add.f32.msk $0xffff, v9  }
.Ltmp0:
0x6d: {  	[tilespmem:s16+$0x4F90] =	vst.add.f32.msk $0xffff, v10;
	(pc) =	sbr.rel @p0 .LBB2_3-.Ltmp0, $4  }
0x6e: {  	[tilespmem:s16+$0x4FA0] =	vst.add.f32.msk $0xffff, v11  }
0x6f: {  	[tilespmem:s16+$0x4FB0] =	vst.add.f32.msk $0xffff, v12  }
0x70: {  	[tilespmem:s16+$0x4FC0] =	vst.add.f32.msk $0xffff, v13  }
0x71: {  	s17 =	sadd.s32 $0x400, s17;
	[tilespmem:s16+$0x4FD0] =	vst.add.f32.msk $0xffff, v14  }
0x72: {  	s15 =	smul.u32 $0x140, s14;
	_ =	sdelay $0x1  }
0x73: {  	s17 =	sadd.s32 s4, s15  }
0x74: {  	s17 =	sshll.u32 s17, $0x4  }
0x75: {  	[tilespmem:s16+$0x4FE0] =	vst.add.f32.msk $0xffff, v0;
	s18 =	simm.s32 $0x0;
	s17 =	sadd.s32 s6, s17  }
0x76: {  	[hbm4b:s17+s18] =	stream.linear.scatter [tilespmem:s21], [sflag:$0x5], $0x2800, $0x38;
	[tilespmem:$0x18F00] =	vst v63  }
0x77: {  	_ =	swait.ge [sflag:s29], $0x2800  }
0x78: {  	[sflag:s29] =	ssyncset.done $0x0  }
0x79: {  	s17 =	sadd.s32 $0x140, s15;
	[sflag:s29] =	ssyncadd.s32 $0xFFFFD800  }
0x7a: {  	[tilespmem:s21], [sflag:$0x1] =	stream.indirect.gather [hbm4b:s2+s20], $0x80, s17, s20, $0xb8;
	[tilespmem:$0x18F00] =	vst v63  }
0x7b: {  	s18 =	sadd.s32 $0x28C0, s15  }
0x7c: {  	[tilespmem:s22], [sflag:$0x1] =	stream.indirect.gather [hbm4b:s5+s20], $0x80, s18, s20, $0xb8;
	[tilespmem:$0x18F00] =	vst v63  }
0x7d: {  	_ =	swait.ge [sflag:s31], $0x2800  }
0x7e: {  	[sflag:s31] =	ssyncset.done $0x0  }
0x7f: {  	[sflag:s31] =	ssyncadd.s32 $0xFFFFD800  }
0x80: {  	_ =	swait.ge [sflag:s31], $0x2800  }
0x81: {  	[sflag:s31] =	ssyncset.done $0x0  }
0x82: {  	s16 =	simm.s32 $0x0;
	[sflag:s31] =	ssyncadd.s32 $0xFFFFD800  }
0x83: {  	v0 =	vld [tilespmem:s16+$0x117F0]  }
0x84: {  	v1 =	vld [tilespmem:s16+$0x11700]  }
0x85: {  	v2 =	vld [tilespmem:s16+$0x11710]  }
0x86: {  	v3 =	vld [tilespmem:s16+$0x11720]  }
0x87: {  	v4 =	vld [tilespmem:s16+$0x11730]  }
0x88: {  	v5 =	vld [tilespmem:s16+$0x11740]  }
0x89: {  	v6 =	vld [tilespmem:s16+$0x11750]  }
0x8a: {  	v7 =	vld [tilespmem:s16+$0x11760]  }
0x8b: {  	v8 =	vld [tilespmem:s16+$0x11770]  }
0x8c: {  	v9 =	vld [tilespmem:s16+$0x11780]  }
0x8d: {  	v10 =	vld [tilespmem:s16+$0x11790]  }
0x8e: {  	v11 =	vld [tilespmem:s16+$0x117A0]  }
0x8f: {  	v12 =	vld [tilespmem:s16+$0x117B0]  }
0x90: {  	v13 =	vld [tilespmem:s16+$0x117C0]  }
0x91: {  	v14 =	vld [tilespmem:s16+$0x117D0]  }
0x92: {  	[tilespmem:s16+$0x77F0] =	vst.add.f32.msk $0xffff, v0  }
0x93: {  	v0 =	vld [tilespmem:s16+$0x117E0]  }
0x94: {  	[tilespmem:s16+$0x7700] =	vst.add.f32.msk $0xffff, v1  }
0x95: {  	[tilespmem:s16+$0x7710] =	vst.add.f32.msk $0xffff, v2  }
0x96: {  	[tilespmem:s16+$0x7720] =	vst.add.f32.msk $0xffff, v3  }
0x97: {  	[tilespmem:s16+$0x7730] =	vst.add.f32.msk $0xffff, v4  }
0x98: {  	[tilespmem:s16+$0x7740] =	vst.add.f32.msk $0xffff, v5  }
0x99: {  	[tilespmem:s16+$0x7750] =	vst.add.f32.msk $0xffff, v6  }
0x9a: {  	[tilespmem:s16+$0x7760] =	vst.add.f32.msk $0xffff, v7  }
0x9b: {  	[tilespmem:s16+$0x7770] =	vst.add.f32.msk $0xffff, v8  }
0x9c: {  	[tilespmem:s16+$0x7780] =	vst.add.f32.msk $0xffff, v9  }
0x9d: {  	[tilespmem:s16+$0x7790] =	vst.add.f32.msk $0xffff, v10  }
0x9e: {  	[tilespmem:s16+$0x77A0] =	vst.add.f32.msk $0xffff, v11  }
0x9f: {  	[tilespmem:s16+$0x77B0] =	vst.add.f32.msk $0xffff, v12  }
0xa0: {  	[tilespmem:s16+$0x77C0] =	vst.add.f32.msk $0xffff, v13  }
0xa1: {  	s17 =	simm.s32 $0x0;
	s18 =	simm.s32 $0x400;
	[tilespmem:s16+$0x77D0] =	vst.add.f32.msk $0xffff, v14  }
.LBB2_5:
0xa2: {  	s17 =	sadd.s32 $0x2, s17;
	[tilespmem:s16+$0x77E0] =	vst.add.f32.msk $0xffff, v0;
	s16 =	sshra.s32 s18, $0x2  }
0xa3: {  	v0 =	vld [tilespmem:s16+$0x117F0];
	p0 =	slt.u32 s17, $0x4E  }
0xa4: {  	v1 =	vld [tilespmem:s16+$0x11700]  }
0xa5: {  	v2 =	vld [tilespmem:s16+$0x11710]  }
0xa6: {  	v3 =	vld [tilespmem:s16+$0x11720]  }
0xa7: {  	v4 =	vld [tilespmem:s16+$0x11730]  }
0xa8: {  	[tilespmem:s16+$0x77F0] =	vst.add.f32.msk $0xffff, v0  }
0xa9: {  	v5 =	vld [tilespmem:s16+$0x11740]  }
0xaa: {  	v6 =	vld [tilespmem:s16+$0x11750]  }
0xab: {  	v7 =	vld [tilespmem:s16+$0x11760]  }
0xac: {  	v8 =	vld [tilespmem:s16+$0x11770]  }
0xad: {  	v9 =	vld [tilespmem:s16+$0x11780]  }
0xae: {  	v10 =	vld [tilespmem:s16+$0x11790]  }
0xaf: {  	v11 =	vld [tilespmem:s16+$0x117A0]  }
0xb0: {  	v12 =	vld [tilespmem:s16+$0x117B0]  }
0xb1: {  	v13 =	vld [tilespmem:s16+$0x117C0]  }
0xb2: {  	v14 =	vld [tilespmem:s16+$0x117D0]  }
0xb3: {  	v0 =	vld [tilespmem:s16+$0x117E0]  }
0xb4: {  	[tilespmem:s16+$0x7700] =	vst.add.f32.msk $0xffff, v1  }
0xb5: {  	[tilespmem:s16+$0x7710] =	vst.add.f32.msk $0xffff, v2  }
0xb6: {  	[tilespmem:s16+$0x7720] =	vst.add.f32.msk $0xffff, v3  }
0xb7: {  	[tilespmem:s16+$0x7730] =	vst.add.f32.msk $0xffff, v4  }
0xb8: {  	[tilespmem:s16+$0x7740] =	vst.add.f32.msk $0xffff, v5  }
0xb9: {  	[tilespmem:s16+$0x7750] =	vst.add.f32.msk $0xffff, v6  }
0xba: {  	[tilespmem:s16+$0x7760] =	vst.add.f32.msk $0xffff, v7  }
0xbb: {  	[tilespmem:s16+$0x7770] =	vst.add.f32.msk $0xffff, v8  }
0xbc: {  	[tilespmem:s16+$0x7780] =	vst.add.f32.msk $0xffff, v9  }
.Ltmp1:
0xbd: {  	[tilespmem:s16+$0x7790] =	vst.add.f32.msk $0xffff, v10;
	(pc) =	sbr.rel @p0 .LBB2_5-.Ltmp1, $4  }
0xbe: {  	[tilespmem:s16+$0x77A0] =	vst.add.f32.msk $0xffff, v11  }
0xbf: {  	[tilespmem:s16+$0x77B0] =	vst.add.f32.msk $0xffff, v12  }
0xc0: {  	[tilespmem:s16+$0x77C0] =	vst.add.f32.msk $0xffff, v13  }
0xc1: {  	s18 =	sadd.s32 $0x400, s18;
	[tilespmem:s16+$0x77D0] =	vst.add.f32.msk $0xffff, v14  }
0xc2: {  	s17 =	sadd.s32 s15, s9  }
0xc3: {  	s17 =	sshll.u32 s17, $0x4  }
0xc4: {  	[tilespmem:s16+$0x77E0] =	vst.add.f32.msk $0xffff, v0;
	s18 =	simm.s32 $0x0;
	s17 =	sadd.s32 s6, s17  }
0xc5: {  	[hbm4b:s17+s18] =	stream.linear.scatter [tilespmem:s23], [sflag:$0x6], $0x2800, $0x38;
	[tilespmem:$0x18F00] =	vst v63  }
0xc6: {  	_ =	swait.ge [sflag:s0], $0x2800  }
0xc7: {  	[sflag:s0] =	ssyncset.done $0x0  }
0xc8: {  	s17 =	sadd.s32 $0x190, s15;
	[sflag:s0] =	ssyncadd.s32 $0xFFFFD800  }
0xc9: {  	[tilespmem:s23], [sflag:$0x2] =	stream.indirect.gather [hbm4b:s2+s20], $0x80, s17, s20, $0xb8;
	[tilespmem:$0x18F00] =	vst v63  }
0xca: {  	s18 =	sadd.s32 $0x2910, s15  }
0xcb: {  	[tilespmem:s25], [sflag:$0x2] =	stream.indirect.gather [hbm4b:s5+s20], $0x80, s18, s20, $0xb8;
	[tilespmem:$0x18F00] =	vst v63  }
0xcc: {  	_ =	swait.ge [sflag:s19], $0x2800  }
0xcd: {  	[sflag:s19] =	ssyncset.done $0x0  }
0xce: {  	[sflag:s19] =	ssyncadd.s32 $0xFFFFD800  }
0xcf: {  	_ =	swait.ge [sflag:s19], $0x2800  }
0xd0: {  	[sflag:s19] =	ssyncset.done $0x0  }
0xd1: {  	s16 =	simm.s32 $0x0;
	[sflag:s19] =	ssyncadd.s32 $0xFFFFD800  }
0xd2: {  	v0 =	vld [tilespmem:s16+$0x13FF0]  }
0xd3: {  	v1 =	vld [tilespmem:s16+$0x13F00]  }
0xd4: {  	v2 =	vld [tilespmem:s16+$0x13F10]  }
0xd5: {  	v3 =	vld [tilespmem:s16+$0x13F20]  }
0xd6: {  	v4 =	vld [tilespmem:s16+$0x13F30]  }
0xd7: {  	v5 =	vld [tilespmem:s16+$0x13F40]  }
0xd8: {  	v6 =	vld [tilespmem:s16+$0x13F50]  }
0xd9: {  	v7 =	vld [tilespmem:s16+$0x13F60]  }
0xda: {  	v8 =	vld [tilespmem:s16+$0x13F70]  }
0xdb: {  	v9 =	vld [tilespmem:s16+$0x13F80]  }
0xdc: {  	v10 =	vld [tilespmem:s16+$0x13F90]  }
0xdd: {  	v11 =	vld [tilespmem:s16+$0x13FA0]  }
0xde: {  	v12 =	vld [tilespmem:s16+$0x13FB0]  }
0xdf: {  	v13 =	vld [tilespmem:s16+$0x13FC0]  }
0xe0: {  	v14 =	vld [tilespmem:s16+$0x13FD0]  }
0xe1: {  	[tilespmem:s16+$0x9FF0] =	vst.add.f32.msk $0xffff, v0  }
0xe2: {  	v0 =	vld [tilespmem:s16+$0x13FE0]  }
0xe3: {  	[tilespmem:s16+$0x9F00] =	vst.add.f32.msk $0xffff, v1  }
0xe4: {  	[tilespmem:s16+$0x9F10] =	vst.add.f32.msk $0xffff, v2  }
0xe5: {  	[tilespmem:s16+$0x9F20] =	vst.add.f32.msk $0xffff, v3  }
0xe6: {  	[tilespmem:s16+$0x9F30] =	vst.add.f32.msk $0xffff, v4  }
0xe7: {  	[tilespmem:s16+$0x9F40] =	vst.add.f32.msk $0xffff, v5  }
0xe8: {  	[tilespmem:s16+$0x9F50] =	vst.add.f32.msk $0xffff, v6  }
0xe9: {  	[tilespmem:s16+$0x9F60] =	vst.add.f32.msk $0xffff, v7  }
0xea: {  	[tilespmem:s16+$0x9F70] =	vst.add.f32.msk $0xffff, v8  }
0xeb: {  	[tilespmem:s16+$0x9F80] =	vst.add.f32.msk $0xffff, v9  }
0xec: {  	[tilespmem:s16+$0x9F90] =	vst.add.f32.msk $0xffff, v10  }
0xed: {  	[tilespmem:s16+$0x9FA0] =	vst.add.f32.msk $0xffff, v11  }
0xee: {  	[tilespmem:s16+$0x9FB0] =	vst.add.f32.msk $0xffff, v12  }
0xef: {  	[tilespmem:s16+$0x9FC0] =	vst.add.f32.msk $0xffff, v13  }
0xf0: {  	s17 =	simm.s32 $0x0;
	s18 =	simm.s32 $0x400;
	[tilespmem:s16+$0x9FD0] =	vst.add.f32.msk $0xffff, v14  }
.LBB2_7:
0xf1: {  	s17 =	sadd.s32 $0x2, s17;
	[tilespmem:s16+$0x9FE0] =	vst.add.f32.msk $0xffff, v0;
	s16 =	sshra.s32 s18, $0x2  }
0xf2: {  	v0 =	vld [tilespmem:s16+$0x13FF0];
	p0 =	slt.u32 s17, $0x4E  }
0xf3: {  	v1 =	vld [tilespmem:s16+$0x13F00]  }
0xf4: {  	v2 =	vld [tilespmem:s16+$0x13F10]  }
0xf5: {  	v3 =	vld [tilespmem:s16+$0x13F20]  }
0xf6: {  	v4 =	vld [tilespmem:s16+$0x13F30]  }
0xf7: {  	[tilespmem:s16+$0x9FF0] =	vst.add.f32.msk $0xffff, v0  }
0xf8: {  	v5 =	vld [tilespmem:s16+$0x13F40]  }
0xf9: {  	v6 =	vld [tilespmem:s16+$0x13F50]  }
0xfa: {  	v7 =	vld [tilespmem:s16+$0x13F60]  }
0xfb: {  	v8 =	vld [tilespmem:s16+$0x13F70]  }
0xfc: {  	v9 =	vld [tilespmem:s16+$0x13F80]  }
0xfd: {  	v10 =	vld [tilespmem:s16+$0x13F90]  }
0xfe: {  	v11 =	vld [tilespmem:s16+$0x13FA0]  }
0xff: {  	v12 =	vld [tilespmem:s16+$0x13FB0]  }
0x100: {  	v13 =	vld [tilespmem:s16+$0x13FC0]  }
0x101: {  	v14 =	vld [tilespmem:s16+$0x13FD0]  }
0x102: {  	v0 =	vld [tilespmem:s16+$0x13FE0]  }
0x103: {  	[tilespmem:s16+$0x9F00] =	vst.add.f32.msk $0xffff, v1  }
0x104: {  	[tilespmem:s16+$0x9F10] =	vst.add.f32.msk $0xffff, v2  }
0x105: {  	[tilespmem:s16+$0x9F20] =	vst.add.f32.msk $0xffff, v3  }
0x106: {  	[tilespmem:s16+$0x9F30] =	vst.add.f32.msk $0xffff, v4  }
0x107: {  	[tilespmem:s16+$0x9F40] =	vst.add.f32.msk $0xffff, v5  }
0x108: {  	[tilespmem:s16+$0x9F50] =	vst.add.f32.msk $0xffff, v6  }
0x109: {  	[tilespmem:s16+$0x9F60] =	vst.add.f32.msk $0xffff, v7  }
0x10a: {  	[tilespmem:s16+$0x9F70] =	vst.add.f32.msk $0xffff, v8  }
0x10b: {  	[tilespmem:s16+$0x9F80] =	vst.add.f32.msk $0xffff, v9  }
.Ltmp2:
0x10c: {  	[tilespmem:s16+$0x9F90] =	vst.add.f32.msk $0xffff, v10;
	(pc) =	sbr.rel @p0 .LBB2_7-.Ltmp2, $4  }
0x10d: {  	[tilespmem:s16+$0x9FA0] =	vst.add.f32.msk $0xffff, v11  }
0x10e: {  	[tilespmem:s16+$0x9FB0] =	vst.add.f32.msk $0xffff, v12  }
0x10f: {  	[tilespmem:s16+$0x9FC0] =	vst.add.f32.msk $0xffff, v13  }
0x110: {  	s18 =	sadd.s32 $0x400, s18;
	[tilespmem:s16+$0x9FD0] =	vst.add.f32.msk $0xffff, v14  }
0x111: {  	s17 =	sadd.s32 s15, s10  }
0x112: {  	s17 =	sshll.u32 s17, $0x4  }
0x113: {  	[tilespmem:s16+$0x9FE0] =	vst.add.f32.msk $0xffff, v0;
	s18 =	simm.s32 $0x0;
	s17 =	sadd.s32 s6, s17  }
0x114: {  	[hbm4b:s17+s18] =	stream.linear.scatter [tilespmem:s28], [sflag:$0x7], $0x2800, $0x38;
	[tilespmem:$0x18F00] =	vst v63  }
0x115: {  	_ =	swait.ge [sflag:s7], $0x2800  }
0x116: {  	[sflag:s7] =	ssyncset.done $0x0  }
0x117: {  	s17 =	sadd.s32 $0x1E0, s15;
	[sflag:s7] =	ssyncadd.s32 $0xFFFFD800  }
0x118: {  	[tilespmem:s28], [sflag:$0x3] =	stream.indirect.gather [hbm4b:s2+s20], $0x80, s17, s20, $0xb8;
	[tilespmem:$0x18F00] =	vst v63  }
0x119: {  	s18 =	sadd.s32 $0x2960, s15  }
0x11a: {  	[tilespmem:s30], [sflag:$0x3] =	stream.indirect.gather [hbm4b:s5+s20], $0x80, s18, s20, $0xb8;
	[tilespmem:$0x18F00] =	vst v63  }
0x11b: {  	_ =	swait.ge [sflag:s8], $0x2800  }
0x11c: {  	[sflag:s8] =	ssyncset.done $0x0  }
0x11d: {  	[sflag:s8] =	ssyncadd.s32 $0xFFFFD800  }
0x11e: {  	_ =	swait.ge [sflag:s8], $0x2800  }
0x11f: {  	[sflag:s8] =	ssyncset.done $0x0  }
0x120: {  	s16 =	simm.s32 $0x0;
	[sflag:s8] =	ssyncadd.s32 $0xFFFFD800  }
0x121: {  	v0 =	vld [tilespmem:s16+$0x167F0]  }
0x122: {  	v1 =	vld [tilespmem:s16+$0x16700]  }
0x123: {  	v2 =	vld [tilespmem:s16+$0x16710]  }
0x124: {  	v3 =	vld [tilespmem:s16+$0x16720]  }
0x125: {  	v4 =	vld [tilespmem:s16+$0x16730]  }
0x126: {  	v5 =	vld [tilespmem:s16+$0x16740]  }
0x127: {  	v6 =	vld [tilespmem:s16+$0x16750]  }
0x128: {  	v7 =	vld [tilespmem:s16+$0x16760]  }
0x129: {  	v8 =	vld [tilespmem:s16+$0x16770]  }
0x12a: {  	v9 =	vld [tilespmem:s16+$0x16780]  }
0x12b: {  	v10 =	vld [tilespmem:s16+$0x16790]  }
0x12c: {  	v11 =	vld [tilespmem:s16+$0x167A0]  }
0x12d: {  	v12 =	vld [tilespmem:s16+$0x167B0]  }
0x12e: {  	v13 =	vld [tilespmem:s16+$0x167C0]  }
0x12f: {  	v14 =	vld [tilespmem:s16+$0x167D0]  }
0x130: {  	[tilespmem:s16+$0xC7F0] =	vst.add.f32.msk $0xffff, v0  }
0x131: {  	v0 =	vld [tilespmem:s16+$0x167E0]  }
0x132: {  	[tilespmem:s16+$0xC700] =	vst.add.f32.msk $0xffff, v1  }
0x133: {  	[tilespmem:s16+$0xC710] =	vst.add.f32.msk $0xffff, v2  }
0x134: {  	[tilespmem:s16+$0xC720] =	vst.add.f32.msk $0xffff, v3  }
0x135: {  	[tilespmem:s16+$0xC730] =	vst.add.f32.msk $0xffff, v4  }
0x136: {  	[tilespmem:s16+$0xC740] =	vst.add.f32.msk $0xffff, v5  }
0x137: {  	[tilespmem:s16+$0xC750] =	vst.add.f32.msk $0xffff, v6  }
0x138: {  	[tilespmem:s16+$0xC760] =	vst.add.f32.msk $0xffff, v7  }
0x139: {  	[tilespmem:s16+$0xC770] =	vst.add.f32.msk $0xffff, v8  }
0x13a: {  	[tilespmem:s16+$0xC780] =	vst.add.f32.msk $0xffff, v9  }
0x13b: {  	[tilespmem:s16+$0xC790] =	vst.add.f32.msk $0xffff, v10  }
0x13c: {  	[tilespmem:s16+$0xC7A0] =	vst.add.f32.msk $0xffff, v11  }
0x13d: {  	[tilespmem:s16+$0xC7B0] =	vst.add.f32.msk $0xffff, v12  }
0x13e: {  	[tilespmem:s16+$0xC7C0] =	vst.add.f32.msk $0xffff, v13  }
0x13f: {  	s17 =	simm.s32 $0x0;
	s18 =	simm.s32 $0x400;
	[tilespmem:s16+$0xC7D0] =	vst.add.f32.msk $0xffff, v14  }
.LBB2_9:
0x140: {  	s17 =	sadd.s32 $0x2, s17;
	[tilespmem:s16+$0xC7E0] =	vst.add.f32.msk $0xffff, v0;
	s16 =	sshra.s32 s18, $0x2  }
0x141: {  	v0 =	vld [tilespmem:s16+$0x167F0];
	p0 =	slt.u32 s17, $0x4E  }
0x142: {  	v1 =	vld [tilespmem:s16+$0x16700]  }
0x143: {  	v2 =	vld [tilespmem:s16+$0x16710]  }
0x144: {  	v3 =	vld [tilespmem:s16+$0x16720]  }
0x145: {  	v4 =	vld [tilespmem:s16+$0x16730]  }
0x146: {  	[tilespmem:s16+$0xC7F0] =	vst.add.f32.msk $0xffff, v0  }
0x147: {  	v5 =	vld [tilespmem:s16+$0x16740]  }
0x148: {  	v6 =	vld [tilespmem:s16+$0x16750]  }
0x149: {  	v7 =	vld [tilespmem:s16+$0x16760]  }
0x14a: {  	v8 =	vld [tilespmem:s16+$0x16770]  }
0x14b: {  	v9 =	vld [tilespmem:s16+$0x16780]  }
0x14c: {  	v10 =	vld [tilespmem:s16+$0x16790]  }
0x14d: {  	v11 =	vld [tilespmem:s16+$0x167A0]  }
0x14e: {  	v12 =	vld [tilespmem:s16+$0x167B0]  }
0x14f: {  	v13 =	vld [tilespmem:s16+$0x167C0]  }
0x150: {  	v14 =	vld [tilespmem:s16+$0x167D0]  }
0x151: {  	v0 =	vld [tilespmem:s16+$0x167E0]  }
0x152: {  	[tilespmem:s16+$0xC700] =	vst.add.f32.msk $0xffff, v1  }
0x153: {  	[tilespmem:s16+$0xC710] =	vst.add.f32.msk $0xffff, v2  }
0x154: {  	[tilespmem:s16+$0xC720] =	vst.add.f32.msk $0xffff, v3  }
0x155: {  	[tilespmem:s16+$0xC730] =	vst.add.f32.msk $0xffff, v4  }
0x156: {  	[tilespmem:s16+$0xC740] =	vst.add.f32.msk $0xffff, v5  }
0x157: {  	[tilespmem:s16+$0xC750] =	vst.add.f32.msk $0xffff, v6  }
0x158: {  	[tilespmem:s16+$0xC760] =	vst.add.f32.msk $0xffff, v7  }
0x159: {  	[tilespmem:s16+$0xC770] =	vst.add.f32.msk $0xffff, v8  }
0x15a: {  	[tilespmem:s16+$0xC780] =	vst.add.f32.msk $0xffff, v9  }
.Ltmp3:
0x15b: {  	[tilespmem:s16+$0xC790] =	vst.add.f32.msk $0xffff, v10;
	(pc) =	sbr.rel @p0 .LBB2_9-.Ltmp3, $4  }
0x15c: {  	[tilespmem:s16+$0xC7A0] =	vst.add.f32.msk $0xffff, v11  }
0x15d: {  	[tilespmem:s16+$0xC7B0] =	vst.add.f32.msk $0xffff, v12  }
0x15e: {  	[tilespmem:s16+$0xC7C0] =	vst.add.f32.msk $0xffff, v13  }
0x15f: {  	s18 =	sadd.s32 $0x400, s18;
	[tilespmem:s16+$0xC7D0] =	vst.add.f32.msk $0xffff, v14  }
0x160: {  	s17 =	sadd.s32 s15, s11  }
0x161: {  	s17 =	sshll.u32 s17, $0x4  }
0x162: {  	[tilespmem:s16+$0xC7E0] =	vst.add.f32.msk $0xffff, v0;
	s14 =	sadd.s32 $0x1, s14;
	s18 =	sadd.s32 s6, s17  }
0x163: {  	[hbm4b:s18+s3] =	stream.linear.scatter [tilespmem:s1], [sflag:$0x8], $0x2800, $0x38;
	[tilespmem:$0x18F00] =	vst v63  }
0x164: {  	p0 =	sne.s32 s14, $0x1E;
	_ =	swait.ge [sflag:s12], $0x2800  }
.Ltmp4:
0x165: {  	[sflag:s12] =	ssyncset.done $0x0;
	(pc) =	sbr.rel @p0 .LBB2_2-.Ltmp4, $4  }
0x166: {  	s17 =	sadd.s32 $0x230, s15;
	[sflag:s12] =	ssyncadd.s32 $0xFFFFD800  }
0x167: {  	[tilespmem:s1], [sflag:$0x4] =	stream.indirect.gather [hbm4b:s2+s20], $0x80, s17, s20, $0xb8;
	[tilespmem:$0x18F00] =	vst v63  }
0x168: {  	s18 =	sadd.s32 $0x29B0, s15  }
0x169: {  	[tilespmem:s24], [sflag:$0x4] =	stream.indirect.gather [hbm4b:s5+s20], $0x80, s18, s20, $0xb8;
	[tilespmem:$0x18F00] =	vst v63  }
0x16a: {  	_ =	swait.ge [sflag:s26], $0x2800  }
0x16b: {  	[sflag:s26] =	ssyncset.done $0x0  }
0x16c: {  	[sflag:s26] =	ssyncadd.s32 $0xFFFFD800  }
0x16d: {  	_ =	swait.ge [sflag:s26], $0x2800  }
0x16e: {  	[sflag:s26] =	ssyncset.done $0x0  }
0x16f: {  	s14 =	simm.s32 $0x0;
	[sflag:s26] =	ssyncadd.s32 $0xFFFFD800  }
0x170: {  	v0 =	vld [tilespmem:s14+$0xEFF0]  }
0x171: {  	v1 =	vld [tilespmem:s14+$0xEF00]  }
0x172: {  	v2 =	vld [tilespmem:s14+$0xEF10]  }
0x173: {  	v3 =	vld [tilespmem:s14+$0xEF20]  }
0x174: {  	v4 =	vld [tilespmem:s14+$0xEF30]  }
0x175: {  	v5 =	vld [tilespmem:s14+$0xEF40]  }
0x176: {  	v6 =	vld [tilespmem:s14+$0xEF50]  }
0x177: {  	v7 =	vld [tilespmem:s14+$0xEF60]  }
0x178: {  	v8 =	vld [tilespmem:s14+$0xEF70]  }
0x179: {  	v9 =	vld [tilespmem:s14+$0xEF80]  }
0x17a: {  	v10 =	vld [tilespmem:s14+$0xEF90]  }
0x17b: {  	v11 =	vld [tilespmem:s14+$0xEFA0]  }
0x17c: {  	v12 =	vld [tilespmem:s14+$0xEFB0]  }
0x17d: {  	v13 =	vld [tilespmem:s14+$0xEFC0]  }
0x17e: {  	v14 =	vld [tilespmem:s14+$0xEFD0]  }
0x17f: {  	[tilespmem:s14+$0x4FF0] =	vst.add.f32.msk $0xffff, v0  }
0x180: {  	v0 =	vld [tilespmem:s14+$0xEFE0]  }
0x181: {  	[tilespmem:s14+$0x4F00] =	vst.add.f32.msk $0xffff, v1  }
0x182: {  	[tilespmem:s14+$0x4F10] =	vst.add.f32.msk $0xffff, v2  }
0x183: {  	[tilespmem:s14+$0x4F20] =	vst.add.f32.msk $0xffff, v3  }
0x184: {  	[tilespmem:s14+$0x4F30] =	vst.add.f32.msk $0xffff, v4  }
0x185: {  	[tilespmem:s14+$0x4F40] =	vst.add.f32.msk $0xffff, v5  }
0x186: {  	[tilespmem:s14+$0x4F50] =	vst.add.f32.msk $0xffff, v6  }
0x187: {  	[tilespmem:s14+$0x4F60] =	vst.add.f32.msk $0xffff, v7  }
0x188: {  	[tilespmem:s14+$0x4F70] =	vst.add.f32.msk $0xffff, v8  }
0x189: {  	[tilespmem:s14+$0x4F80] =	vst.add.f32.msk $0xffff, v9  }
0x18a: {  	[tilespmem:s14+$0x4F90] =	vst.add.f32.msk $0xffff, v10  }
0x18b: {  	[tilespmem:s14+$0x4FA0] =	vst.add.f32.msk $0xffff, v11  }
0x18c: {  	[tilespmem:s14+$0x4FB0] =	vst.add.f32.msk $0xffff, v12  }
0x18d: {  	[tilespmem:s14+$0x4FC0] =	vst.add.f32.msk $0xffff, v13  }
0x18e: {  	s15 =	simm.s32 $0x0;
	s16 =	simm.s32 $0x400;
	[tilespmem:s14+$0x4FD0] =	vst.add.f32.msk $0xffff, v14  }
.LBB2_12:
0x18f: {  	s15 =	sadd.s32 $0x2, s15;
	[tilespmem:s14+$0x4FE0] =	vst.add.f32.msk $0xffff, v0;
	s14 =	sshra.s32 s16, $0x2  }
0x190: {  	v0 =	vld [tilespmem:s14+$0xEFF0];
	p0 =	slt.u32 s15, $0x4E  }
0x191: {  	v1 =	vld [tilespmem:s14+$0xEF00]  }
0x192: {  	v2 =	vld [tilespmem:s14+$0xEF10]  }
0x193: {  	v3 =	vld [tilespmem:s14+$0xEF20]  }
0x194: {  	v4 =	vld [tilespmem:s14+$0xEF30]  }
0x195: {  	[tilespmem:s14+$0x4FF0] =	vst.add.f32.msk $0xffff, v0  }
0x196: {  	v5 =	vld [tilespmem:s14+$0xEF40]  }
0x197: {  	v6 =	vld [tilespmem:s14+$0xEF50]  }
0x198: {  	v7 =	vld [tilespmem:s14+$0xEF60]  }
0x199: {  	v8 =	vld [tilespmem:s14+$0xEF70]  }
0x19a: {  	v9 =	vld [tilespmem:s14+$0xEF80]  }
0x19b: {  	v10 =	vld [tilespmem:s14+$0xEF90]  }
0x19c: {  	v11 =	vld [tilespmem:s14+$0xEFA0]  }
0x19d: {  	v12 =	vld [tilespmem:s14+$0xEFB0]  }
0x19e: {  	v13 =	vld [tilespmem:s14+$0xEFC0]  }
0x19f: {  	v14 =	vld [tilespmem:s14+$0xEFD0]  }
0x1a0: {  	v0 =	vld [tilespmem:s14+$0xEFE0]  }
0x1a1: {  	[tilespmem:s14+$0x4F00] =	vst.add.f32.msk $0xffff, v1  }
0x1a2: {  	[tilespmem:s14+$0x4F10] =	vst.add.f32.msk $0xffff, v2  }
0x1a3: {  	[tilespmem:s14+$0x4F20] =	vst.add.f32.msk $0xffff, v3  }
0x1a4: {  	[tilespmem:s14+$0x4F30] =	vst.add.f32.msk $0xffff, v4  }
0x1a5: {  	[tilespmem:s14+$0x4F40] =	vst.add.f32.msk $0xffff, v5  }
0x1a6: {  	[tilespmem:s14+$0x4F50] =	vst.add.f32.msk $0xffff, v6  }
0x1a7: {  	[tilespmem:s14+$0x4F60] =	vst.add.f32.msk $0xffff, v7  }
0x1a8: {  	[tilespmem:s14+$0x4F70] =	vst.add.f32.msk $0xffff, v8  }
0x1a9: {  	[tilespmem:s14+$0x4F80] =	vst.add.f32.msk $0xffff, v9  }
.Ltmp5:
0x1aa: {  	[tilespmem:s14+$0x4F90] =	vst.add.f32.msk $0xffff, v10;
	(pc) =	sbr.rel @p0 .LBB2_12-.Ltmp5, $4  }
0x1ab: {  	[tilespmem:s14+$0x4FA0] =	vst.add.f32.msk $0xffff, v11  }
0x1ac: {  	[tilespmem:s14+$0x4FB0] =	vst.add.f32.msk $0xffff, v12  }
0x1ad: {  	[tilespmem:s14+$0x4FC0] =	vst.add.f32.msk $0xffff, v13  }
0x1ae: {  	s16 =	sadd.s32 $0x400, s16;
	[tilespmem:s14+$0x4FD0] =	vst.add.f32.msk $0xffff, v14  }
0x1af: {  	[tilespmem:s14+$0x4FE0] =	vst.add.f32.msk $0xffff, v0  }
0x1b0: {  	s18 =	simm.s32 $0x0;
	s15 =	rddreg [dreg:$0x5]  }
0x1b1: {  	[hbm4b:s15+s18] =	stream.linear.scatter [tilespmem:s21], [sflag:$0x5], $0x2800, $0x38;
	[tilespmem:$0x18F00] =	vst v63  }
0x1b2: {  	_ =	swait.ge [sflag:s31], $0x2800  }
0x1b3: {  	[sflag:s31] =	ssyncset.done $0x0  }
0x1b4: {  	[sflag:s31] =	ssyncadd.s32 $0xFFFFD800  }
0x1b5: {  	_ =	swait.ge [sflag:s31], $0x2800  }
0x1b6: {  	[sflag:s31] =	ssyncset.done $0x0  }
0x1b7: {  	s14 =	simm.s32 $0x0;
	[sflag:s31] =	ssyncadd.s32 $0xFFFFD800  }
0x1b8: {  	v0 =	vld [tilespmem:s14+$0x117F0]  }
0x1b9: {  	v1 =	vld [tilespmem:s14+$0x11700]  }
0x1ba: {  	v2 =	vld [tilespmem:s14+$0x11710]  }
0x1bb: {  	v3 =	vld [tilespmem:s14+$0x11720]  }
0x1bc: {  	v4 =	vld [tilespmem:s14+$0x11730]  }
0x1bd: {  	v5 =	vld [tilespmem:s14+$0x11740]  }
0x1be: {  	v6 =	vld [tilespmem:s14+$0x11750]  }
0x1bf: {  	v7 =	vld [tilespmem:s14+$0x11760]  }
0x1c0: {  	v8 =	vld [tilespmem:s14+$0x11770]  }
0x1c1: {  	v9 =	vld [tilespmem:s14+$0x11780]  }
0x1c2: {  	v10 =	vld [tilespmem:s14+$0x11790]  }
0x1c3: {  	v11 =	vld [tilespmem:s14+$0x117A0]  }
0x1c4: {  	v12 =	vld [tilespmem:s14+$0x117B0]  }
0x1c5: {  	v13 =	vld [tilespmem:s14+$0x117C0]  }
0x1c6: {  	v14 =	vld [tilespmem:s14+$0x117D0]  }
0x1c7: {  	[tilespmem:s14+$0x77F0] =	vst.add.f32.msk $0xffff, v0  }
0x1c8: {  	v0 =	vld [tilespmem:s14+$0x117E0]  }
0x1c9: {  	[tilespmem:s14+$0x7700] =	vst.add.f32.msk $0xffff, v1  }
0x1ca: {  	[tilespmem:s14+$0x7710] =	vst.add.f32.msk $0xffff, v2  }
0x1cb: {  	[tilespmem:s14+$0x7720] =	vst.add.f32.msk $0xffff, v3  }
0x1cc: {  	[tilespmem:s14+$0x7730] =	vst.add.f32.msk $0xffff, v4  }
0x1cd: {  	[tilespmem:s14+$0x7740] =	vst.add.f32.msk $0xffff, v5  }
0x1ce: {  	[tilespmem:s14+$0x7750] =	vst.add.f32.msk $0xffff, v6  }
0x1cf: {  	[tilespmem:s14+$0x7760] =	vst.add.f32.msk $0xffff, v7  }
0x1d0: {  	[tilespmem:s14+$0x7770] =	vst.add.f32.msk $0xffff, v8  }
0x1d1: {  	[tilespmem:s14+$0x7780] =	vst.add.f32.msk $0xffff, v9  }
0x1d2: {  	[tilespmem:s14+$0x7790] =	vst.add.f32.msk $0xffff, v10  }
0x1d3: {  	[tilespmem:s14+$0x77A0] =	vst.add.f32.msk $0xffff, v11  }
0x1d4: {  	[tilespmem:s14+$0x77B0] =	vst.add.f32.msk $0xffff, v12  }
0x1d5: {  	[tilespmem:s14+$0x77C0] =	vst.add.f32.msk $0xffff, v13  }
0x1d6: {  	s16 =	simm.s32 $0x400;
	s15 =	simm.s32 $0x0;
	[tilespmem:s14+$0x77D0] =	vst.add.f32.msk $0xffff, v14  }
.LBB2_14:
0x1d7: {  	s15 =	sadd.s32 $0x2, s15;
	[tilespmem:s14+$0x77E0] =	vst.add.f32.msk $0xffff, v0;
	s14 =	sshra.s32 s16, $0x2  }
0x1d8: {  	v0 =	vld [tilespmem:s14+$0x117F0];
	p0 =	slt.u32 s15, $0x4E  }
0x1d9: {  	v1 =	vld [tilespmem:s14+$0x11700]  }
0x1da: {  	v2 =	vld [tilespmem:s14+$0x11710]  }
0x1db: {  	v3 =	vld [tilespmem:s14+$0x11720]  }
0x1dc: {  	v4 =	vld [tilespmem:s14+$0x11730]  }
0x1dd: {  	[tilespmem:s14+$0x77F0] =	vst.add.f32.msk $0xffff, v0  }
0x1de: {  	v5 =	vld [tilespmem:s14+$0x11740]  }
0x1df: {  	v6 =	vld [tilespmem:s14+$0x11750]  }
0x1e0: {  	v7 =	vld [tilespmem:s14+$0x11760]  }
0x1e1: {  	v8 =	vld [tilespmem:s14+$0x11770]  }
0x1e2: {  	v9 =	vld [tilespmem:s14+$0x11780]  }
0x1e3: {  	v10 =	vld [tilespmem:s14+$0x11790]  }
0x1e4: {  	v11 =	vld [tilespmem:s14+$0x117A0]  }
0x1e5: {  	v12 =	vld [tilespmem:s14+$0x117B0]  }
0x1e6: {  	v13 =	vld [tilespmem:s14+$0x117C0]  }
0x1e7: {  	v14 =	vld [tilespmem:s14+$0x117D0]  }
0x1e8: {  	v0 =	vld [tilespmem:s14+$0x117E0]  }
0x1e9: {  	[tilespmem:s14+$0x7700] =	vst.add.f32.msk $0xffff, v1  }
0x1ea: {  	[tilespmem:s14+$0x7710] =	vst.add.f32.msk $0xffff, v2  }
0x1eb: {  	[tilespmem:s14+$0x7720] =	vst.add.f32.msk $0xffff, v3  }
0x1ec: {  	[tilespmem:s14+$0x7730] =	vst.add.f32.msk $0xffff, v4  }
0x1ed: {  	[tilespmem:s14+$0x7740] =	vst.add.f32.msk $0xffff, v5  }
0x1ee: {  	[tilespmem:s14+$0x7750] =	vst.add.f32.msk $0xffff, v6  }
0x1ef: {  	[tilespmem:s14+$0x7760] =	vst.add.f32.msk $0xffff, v7  }
0x1f0: {  	[tilespmem:s14+$0x7770] =	vst.add.f32.msk $0xffff, v8  }
0x1f1: {  	[tilespmem:s14+$0x7780] =	vst.add.f32.msk $0xffff, v9  }
.Ltmp6:
0x1f2: {  	[tilespmem:s14+$0x7790] =	vst.add.f32.msk $0xffff, v10;
	(pc) =	sbr.rel @p0 .LBB2_14-.Ltmp6, $4  }
0x1f3: {  	[tilespmem:s14+$0x77A0] =	vst.add.f32.msk $0xffff, v11  }
0x1f4: {  	[tilespmem:s14+$0x77B0] =	vst.add.f32.msk $0xffff, v12  }
0x1f5: {  	[tilespmem:s14+$0x77C0] =	vst.add.f32.msk $0xffff, v13  }
0x1f6: {  	s16 =	sadd.s32 $0x400, s16;
	[tilespmem:s14+$0x77D0] =	vst.add.f32.msk $0xffff, v14  }
0x1f7: {  	[tilespmem:s14+$0x77E0] =	vst.add.f32.msk $0xffff, v0  }
0x1f8: {  	s18 =	simm.s32 $0x0;
	s15 =	rddreg [dreg:$0x6]  }
0x1f9: {  	[hbm4b:s15+s18] =	stream.linear.scatter [tilespmem:s23], [sflag:$0x6], $0x2800, $0x38;
	[tilespmem:$0x18F00] =	vst v63  }
0x1fa: {  	_ =	swait.ge [sflag:s19], $0x2800  }
0x1fb: {  	[sflag:s19] =	ssyncset.done $0x0  }
0x1fc: {  	[sflag:s19] =	ssyncadd.s32 $0xFFFFD800  }
0x1fd: {  	_ =	swait.ge [sflag:s19], $0x2800  }
0x1fe: {  	[sflag:s19] =	ssyncset.done $0x0  }
0x1ff: {  	s14 =	simm.s32 $0x0;
	[sflag:s19] =	ssyncadd.s32 $0xFFFFD800  }
0x200: {  	v0 =	vld [tilespmem:s14+$0x13FF0]  }
0x201: {  	v1 =	vld [tilespmem:s14+$0x13F00]  }
0x202: {  	v2 =	vld [tilespmem:s14+$0x13F10]  }
0x203: {  	v3 =	vld [tilespmem:s14+$0x13F20]  }
0x204: {  	v4 =	vld [tilespmem:s14+$0x13F30]  }
0x205: {  	v5 =	vld [tilespmem:s14+$0x13F40]  }
0x206: {  	v6 =	vld [tilespmem:s14+$0x13F50]  }
0x207: {  	v7 =	vld [tilespmem:s14+$0x13F60]  }
0x208: {  	v8 =	vld [tilespmem:s14+$0x13F70]  }
0x209: {  	v9 =	vld [tilespmem:s14+$0x13F80]  }
0x20a: {  	v10 =	vld [tilespmem:s14+$0x13F90]  }
0x20b: {  	v11 =	vld [tilespmem:s14+$0x13FA0]  }
0x20c: {  	v12 =	vld [tilespmem:s14+$0x13FB0]  }
0x20d: {  	v13 =	vld [tilespmem:s14+$0x13FC0]  }
0x20e: {  	v14 =	vld [tilespmem:s14+$0x13FD0]  }
0x20f: {  	[tilespmem:s14+$0x9FF0] =	vst.add.f32.msk $0xffff, v0  }
0x210: {  	v0 =	vld [tilespmem:s14+$0x13FE0]  }
0x211: {  	[tilespmem:s14+$0x9F00] =	vst.add.f32.msk $0xffff, v1  }
0x212: {  	[tilespmem:s14+$0x9F10] =	vst.add.f32.msk $0xffff, v2  }
0x213: {  	[tilespmem:s14+$0x9F20] =	vst.add.f32.msk $0xffff, v3  }
0x214: {  	[tilespmem:s14+$0x9F30] =	vst.add.f32.msk $0xffff, v4  }
0x215: {  	[tilespmem:s14+$0x9F40] =	vst.add.f32.msk $0xffff, v5  }
0x216: {  	[tilespmem:s14+$0x9F50] =	vst.add.f32.msk $0xffff, v6  }
0x217: {  	[tilespmem:s14+$0x9F60] =	vst.add.f32.msk $0xffff, v7  }
0x218: {  	[tilespmem:s14+$0x9F70] =	vst.add.f32.msk $0xffff, v8  }
0x219: {  	[tilespmem:s14+$0x9F80] =	vst.add.f32.msk $0xffff, v9  }
0x21a: {  	[tilespmem:s14+$0x9F90] =	vst.add.f32.msk $0xffff, v10  }
0x21b: {  	[tilespmem:s14+$0x9FA0] =	vst.add.f32.msk $0xffff, v11  }
0x21c: {  	[tilespmem:s14+$0x9FB0] =	vst.add.f32.msk $0xffff, v12  }
0x21d: {  	[tilespmem:s14+$0x9FC0] =	vst.add.f32.msk $0xffff, v13  }
0x21e: {  	s16 =	simm.s32 $0x400;
	s15 =	simm.s32 $0x0;
	[tilespmem:s14+$0x9FD0] =	vst.add.f32.msk $0xffff, v14  }
.LBB2_16:
0x21f: {  	s15 =	sadd.s32 $0x2, s15;
	[tilespmem:s14+$0x9FE0] =	vst.add.f32.msk $0xffff, v0;
	s14 =	sshra.s32 s16, $0x2  }
0x220: {  	v0 =	vld [tilespmem:s14+$0x13FF0];
	p0 =	slt.u32 s15, $0x4E  }
0x221: {  	v1 =	vld [tilespmem:s14+$0x13F00]  }
0x222: {  	v2 =	vld [tilespmem:s14+$0x13F10]  }
0x223: {  	v3 =	vld [tilespmem:s14+$0x13F20]  }
0x224: {  	v4 =	vld [tilespmem:s14+$0x13F30]  }
0x225: {  	[tilespmem:s14+$0x9FF0] =	vst.add.f32.msk $0xffff, v0  }
0x226: {  	v5 =	vld [tilespmem:s14+$0x13F40]  }
0x227: {  	v6 =	vld [tilespmem:s14+$0x13F50]  }
0x228: {  	v7 =	vld [tilespmem:s14+$0x13F60]  }
0x229: {  	v8 =	vld [tilespmem:s14+$0x13F70]  }
0x22a: {  	v9 =	vld [tilespmem:s14+$0x13F80]  }
0x22b: {  	v10 =	vld [tilespmem:s14+$0x13F90]  }
0x22c: {  	v11 =	vld [tilespmem:s14+$0x13FA0]  }
0x22d: {  	v12 =	vld [tilespmem:s14+$0x13FB0]  }
0x22e: {  	v13 =	vld [tilespmem:s14+$0x13FC0]  }
0x22f: {  	v14 =	vld [tilespmem:s14+$0x13FD0]  }
0x230: {  	v0 =	vld [tilespmem:s14+$0x13FE0]  }
0x231: {  	[tilespmem:s14+$0x9F00] =	vst.add.f32.msk $0xffff, v1  }
0x232: {  	[tilespmem:s14+$0x9F10] =	vst.add.f32.msk $0xffff, v2  }
0x233: {  	[tilespmem:s14+$0x9F20] =	vst.add.f32.msk $0xffff, v3  }
0x234: {  	[tilespmem:s14+$0x9F30] =	vst.add.f32.msk $0xffff, v4  }
0x235: {  	[tilespmem:s14+$0x9F40] =	vst.add.f32.msk $0xffff, v5  }
0x236: {  	[tilespmem:s14+$0x9F50] =	vst.add.f32.msk $0xffff, v6  }
0x237: {  	[tilespmem:s14+$0x9F60] =	vst.add.f32.msk $0xffff, v7  }
0x238: {  	[tilespmem:s14+$0x9F70] =	vst.add.f32.msk $0xffff, v8  }
0x239: {  	[tilespmem:s14+$0x9F80] =	vst.add.f32.msk $0xffff, v9  }
.Ltmp7:
0x23a: {  	[tilespmem:s14+$0x9F90] =	vst.add.f32.msk $0xffff, v10;
	(pc) =	sbr.rel @p0 .LBB2_16-.Ltmp7, $4  }
0x23b: {  	[tilespmem:s14+$0x9FA0] =	vst.add.f32.msk $0xffff, v11  }
0x23c: {  	[tilespmem:s14+$0x9FB0] =	vst.add.f32.msk $0xffff, v12  }
0x23d: {  	[tilespmem:s14+$0x9FC0] =	vst.add.f32.msk $0xffff, v13  }
0x23e: {  	s16 =	sadd.s32 $0x400, s16;
	[tilespmem:s14+$0x9FD0] =	vst.add.f32.msk $0xffff, v14  }
0x23f: {  	[tilespmem:s14+$0x9FE0] =	vst.add.f32.msk $0xffff, v0  }
0x240: {  	s18 =	simm.s32 $0x0;
	s15 =	rddreg [dreg:$0x7]  }
0x241: {  	[hbm4b:s15+s18] =	stream.linear.scatter [tilespmem:s28], [sflag:$0x7], $0x2800, $0x38;
	[tilespmem:$0x18F00] =	vst v63  }
0x242: {  	_ =	swait.ge [sflag:s8], $0x2800  }
0x243: {  	[sflag:s8] =	ssyncset.done $0x0  }
0x244: {  	[sflag:s8] =	ssyncadd.s32 $0xFFFFD800  }
0x245: {  	_ =	swait.ge [sflag:s8], $0x2800  }
0x246: {  	[sflag:s8] =	ssyncset.done $0x0  }
0x247: {  	s14 =	simm.s32 $0x0;
	[sflag:s8] =	ssyncadd.s32 $0xFFFFD800  }
0x248: {  	v0 =	vld [tilespmem:s14+$0x167F0]  }
0x249: {  	v1 =	vld [tilespmem:s14+$0x16700]  }
0x24a: {  	v2 =	vld [tilespmem:s14+$0x16710]  }
0x24b: {  	v3 =	vld [tilespmem:s14+$0x16720]  }
0x24c: {  	v4 =	vld [tilespmem:s14+$0x16730]  }
0x24d: {  	v5 =	vld [tilespmem:s14+$0x16740]  }
0x24e: {  	v6 =	vld [tilespmem:s14+$0x16750]  }
0x24f: {  	v7 =	vld [tilespmem:s14+$0x16760]  }
0x250: {  	v8 =	vld [tilespmem:s14+$0x16770]  }
0x251: {  	v9 =	vld [tilespmem:s14+$0x16780]  }
0x252: {  	v10 =	vld [tilespmem:s14+$0x16790]  }
0x253: {  	v11 =	vld [tilespmem:s14+$0x167A0]  }
0x254: {  	v12 =	vld [tilespmem:s14+$0x167B0]  }
0x255: {  	v13 =	vld [tilespmem:s14+$0x167C0]  }
0x256: {  	v14 =	vld [tilespmem:s14+$0x167D0]  }
0x257: {  	[tilespmem:s14+$0xC7F0] =	vst.add.f32.msk $0xffff, v0  }
0x258: {  	v0 =	vld [tilespmem:s14+$0x167E0]  }
0x259: {  	[tilespmem:s14+$0xC700] =	vst.add.f32.msk $0xffff, v1  }
0x25a: {  	[tilespmem:s14+$0xC710] =	vst.add.f32.msk $0xffff, v2  }
0x25b: {  	[tilespmem:s14+$0xC720] =	vst.add.f32.msk $0xffff, v3  }
0x25c: {  	[tilespmem:s14+$0xC730] =	vst.add.f32.msk $0xffff, v4  }
0x25d: {  	[tilespmem:s14+$0xC740] =	vst.add.f32.msk $0xffff, v5  }
0x25e: {  	[tilespmem:s14+$0xC750] =	vst.add.f32.msk $0xffff, v6  }
0x25f: {  	[tilespmem:s14+$0xC760] =	vst.add.f32.msk $0xffff, v7  }
0x260: {  	[tilespmem:s14+$0xC770] =	vst.add.f32.msk $0xffff, v8  }
0x261: {  	[tilespmem:s14+$0xC780] =	vst.add.f32.msk $0xffff, v9  }
0x262: {  	[tilespmem:s14+$0xC790] =	vst.add.f32.msk $0xffff, v10  }
0x263: {  	[tilespmem:s14+$0xC7A0] =	vst.add.f32.msk $0xffff, v11  }
0x264: {  	[tilespmem:s14+$0xC7B0] =	vst.add.f32.msk $0xffff, v12  }
0x265: {  	[tilespmem:s14+$0xC7C0] =	vst.add.f32.msk $0xffff, v13  }
0x266: {  	s16 =	simm.s32 $0x400;
	s15 =	simm.s32 $0x0;
	[tilespmem:s14+$0xC7D0] =	vst.add.f32.msk $0xffff, v14  }
.LBB2_18:
0x267: {  	s15 =	sadd.s32 $0x2, s15;
	[tilespmem:s14+$0xC7E0] =	vst.add.f32.msk $0xffff, v0;
	s14 =	sshra.s32 s16, $0x2  }
0x268: {  	v0 =	vld [tilespmem:s14+$0x167F0];
	p0 =	slt.u32 s15, $0x4E  }
0x269: {  	v1 =	vld [tilespmem:s14+$0x16700]  }
0x26a: {  	v2 =	vld [tilespmem:s14+$0x16710]  }
0x26b: {  	v3 =	vld [tilespmem:s14+$0x16720]  }
0x26c: {  	v4 =	vld [tilespmem:s14+$0x16730]  }
0x26d: {  	[tilespmem:s14+$0xC7F0] =	vst.add.f32.msk $0xffff, v0  }
0x26e: {  	v5 =	vld [tilespmem:s14+$0x16740]  }
0x26f: {  	v6 =	vld [tilespmem:s14+$0x16750]  }
0x270: {  	v7 =	vld [tilespmem:s14+$0x16760]  }
0x271: {  	v8 =	vld [tilespmem:s14+$0x16770]  }
0x272: {  	v9 =	vld [tilespmem:s14+$0x16780]  }
0x273: {  	v10 =	vld [tilespmem:s14+$0x16790]  }
0x274: {  	v11 =	vld [tilespmem:s14+$0x167A0]  }
0x275: {  	v12 =	vld [tilespmem:s14+$0x167B0]  }
0x276: {  	v13 =	vld [tilespmem:s14+$0x167C0]  }
0x277: {  	v14 =	vld [tilespmem:s14+$0x167D0]  }
0x278: {  	v0 =	vld [tilespmem:s14+$0x167E0]  }
0x279: {  	[tilespmem:s14+$0xC700] =	vst.add.f32.msk $0xffff, v1  }
0x27a: {  	[tilespmem:s14+$0xC710] =	vst.add.f32.msk $0xffff, v2  }
0x27b: {  	[tilespmem:s14+$0xC720] =	vst.add.f32.msk $0xffff, v3  }
0x27c: {  	[tilespmem:s14+$0xC730] =	vst.add.f32.msk $0xffff, v4  }
0x27d: {  	[tilespmem:s14+$0xC740] =	vst.add.f32.msk $0xffff, v5  }
0x27e: {  	[tilespmem:s14+$0xC750] =	vst.add.f32.msk $0xffff, v6  }
0x27f: {  	[tilespmem:s14+$0xC760] =	vst.add.f32.msk $0xffff, v7  }
0x280: {  	[tilespmem:s14+$0xC770] =	vst.add.f32.msk $0xffff, v8  }
0x281: {  	[tilespmem:s14+$0xC780] =	vst.add.f32.msk $0xffff, v9  }
.Ltmp8:
0x282: {  	[tilespmem:s14+$0xC790] =	vst.add.f32.msk $0xffff, v10;
	(pc) =	sbr.rel @p0 .LBB2_18-.Ltmp8, $4  }
0x283: {  	[tilespmem:s14+$0xC7A0] =	vst.add.f32.msk $0xffff, v11  }
0x284: {  	[tilespmem:s14+$0xC7B0] =	vst.add.f32.msk $0xffff, v12  }
0x285: {  	[tilespmem:s14+$0xC7C0] =	vst.add.f32.msk $0xffff, v13  }
0x286: {  	s16 =	sadd.s32 $0x400, s16;
	[tilespmem:s14+$0xC7D0] =	vst.add.f32.msk $0xffff, v14  }
0x287: {  	[tilespmem:s14+$0xC7E0] =	vst.add.f32.msk $0xffff, v0  }
0x288: {  	s16 =	simm.s32 $0x0;
	s15 =	rddreg [dreg:$0x8]  }
0x289: {  	[hbm4b:s15+s16] =	stream.linear.scatter [tilespmem:s1], [sflag:$0x8], $0x2800, $0x38;
	[tilespmem:$0x18F00] =	vst v63  }
0x28a: {  	_ =	swait.ge [sflag:s29], $0x2800  }
0x28b: {  	[sflag:s29] =	ssyncset.done $0x0  }
0x28c: {  	s17 =	simm.s32 $0x26C0;
	[sflag:s29] =	ssyncadd.s32 $0xFFFFD800  }
0x28d: {  	[tilespmem:s21], [sflag:$0x1] =	stream.indirect.gather [hbm4b:s2+s20], $0x80, s17, s20, $0xb8;
	[tilespmem:$0x18F00] =	vst v63  }
0x28e: {  	s18 =	simm.s32 $0x4E40  }
0x28f: {  	[tilespmem:s22], [sflag:$0x1] =	stream.indirect.gather [hbm4b:s5+s20], $0x80, s18, s20, $0xb8;
	[tilespmem:$0x18F00] =	vst v63  }
0x290: {  	_ =	swait.ge [sflag:s26], $0x2800  }
0x291: {  	[sflag:s26] =	ssyncset.done $0x0  }
0x292: {  	[sflag:s26] =	ssyncadd.s32 $0xFFFFD800  }
0x293: {  	_ =	swait.ge [sflag:s26], $0x2800  }
0x294: {  	[sflag:s26] =	ssyncset.done $0x0  }
0x295: {  	s14 =	simm.s32 $0x0;
	[sflag:s26] =	ssyncadd.s32 $0xFFFFD800  }
0x296: {  	v0 =	vld [tilespmem:s14+$0xEFF0]  }
0x297: {  	v1 =	vld [tilespmem:s14+$0xEF00]  }
0x298: {  	v2 =	vld [tilespmem:s14+$0xEF10]  }
0x299: {  	v3 =	vld [tilespmem:s14+$0xEF20]  }
0x29a: {  	v4 =	vld [tilespmem:s14+$0xEF30]  }
0x29b: {  	v5 =	vld [tilespmem:s14+$0xEF40]  }
0x29c: {  	v6 =	vld [tilespmem:s14+$0xEF50]  }
0x29d: {  	v7 =	vld [tilespmem:s14+$0xEF60]  }
0x29e: {  	v8 =	vld [tilespmem:s14+$0xEF70]  }
0x29f: {  	v9 =	vld [tilespmem:s14+$0xEF80]  }
0x2a0: {  	v10 =	vld [tilespmem:s14+$0xEF90]  }
0x2a1: {  	v11 =	vld [tilespmem:s14+$0xEFA0]  }
0x2a2: {  	v12 =	vld [tilespmem:s14+$0xEFB0]  }
0x2a3: {  	v13 =	vld [tilespmem:s14+$0xEFC0]  }
0x2a4: {  	v14 =	vld [tilespmem:s14+$0xEFD0]  }
0x2a5: {  	[tilespmem:s14+$0x4FF0] =	vst.add.f32.msk $0xffff, v0  }
0x2a6: {  	v0 =	vld [tilespmem:s14+$0xEFE0]  }
0x2a7: {  	[tilespmem:s14+$0x4F00] =	vst.add.f32.msk $0xffff, v1  }
0x2a8: {  	[tilespmem:s14+$0x4F10] =	vst.add.f32.msk $0xffff, v2  }
0x2a9: {  	[tilespmem:s14+$0x4F20] =	vst.add.f32.msk $0xffff, v3  }
0x2aa: {  	[tilespmem:s14+$0x4F30] =	vst.add.f32.msk $0xffff, v4  }
0x2ab: {  	[tilespmem:s14+$0x4F40] =	vst.add.f32.msk $0xffff, v5  }
0x2ac: {  	[tilespmem:s14+$0x4F50] =	vst.add.f32.msk $0xffff, v6  }
0x2ad: {  	[tilespmem:s14+$0x4F60] =	vst.add.f32.msk $0xffff, v7  }
0x2ae: {  	[tilespmem:s14+$0x4F70] =	vst.add.f32.msk $0xffff, v8  }
0x2af: {  	[tilespmem:s14+$0x4F80] =	vst.add.f32.msk $0xffff, v9  }
0x2b0: {  	[tilespmem:s14+$0x4F90] =	vst.add.f32.msk $0xffff, v10  }
0x2b1: {  	[tilespmem:s14+$0x4FA0] =	vst.add.f32.msk $0xffff, v11  }
0x2b2: {  	[tilespmem:s14+$0x4FB0] =	vst.add.f32.msk $0xffff, v12  }
0x2b3: {  	[tilespmem:s14+$0x4FC0] =	vst.add.f32.msk $0xffff, v13  }
0x2b4: {  	s15 =	simm.s32 $0x0;
	s16 =	simm.s32 $0x400;
	[tilespmem:s14+$0x4FD0] =	vst.add.f32.msk $0xffff, v14  }
.LBB2_20:
0x2b5: {  	s15 =	sadd.s32 $0x2, s15;
	[tilespmem:s14+$0x4FE0] =	vst.add.f32.msk $0xffff, v0;
	s14 =	sshra.s32 s16, $0x2  }
0x2b6: {  	v0 =	vld [tilespmem:s14+$0xEFF0];
	p0 =	slt.u32 s15, $0x4E  }
0x2b7: {  	v1 =	vld [tilespmem:s14+$0xEF00]  }
0x2b8: {  	v2 =	vld [tilespmem:s14+$0xEF10]  }
0x2b9: {  	v3 =	vld [tilespmem:s14+$0xEF20]  }
0x2ba: {  	v4 =	vld [tilespmem:s14+$0xEF30]  }
0x2bb: {  	[tilespmem:s14+$0x4FF0] =	vst.add.f32.msk $0xffff, v0  }
0x2bc: {  	v5 =	vld [tilespmem:s14+$0xEF40]  }
0x2bd: {  	v6 =	vld [tilespmem:s14+$0xEF50]  }
0x2be: {  	v7 =	vld [tilespmem:s14+$0xEF60]  }
0x2bf: {  	v8 =	vld [tilespmem:s14+$0xEF70]  }
0x2c0: {  	v9 =	vld [tilespmem:s14+$0xEF80]  }
0x2c1: {  	v10 =	vld [tilespmem:s14+$0xEF90]  }
0x2c2: {  	v11 =	vld [tilespmem:s14+$0xEFA0]  }
0x2c3: {  	v12 =	vld [tilespmem:s14+$0xEFB0]  }
0x2c4: {  	v13 =	vld [tilespmem:s14+$0xEFC0]  }
0x2c5: {  	v14 =	vld [tilespmem:s14+$0xEFD0]  }
0x2c6: {  	v0 =	vld [tilespmem:s14+$0xEFE0]  }
0x2c7: {  	[tilespmem:s14+$0x4F00] =	vst.add.f32.msk $0xffff, v1  }
0x2c8: {  	[tilespmem:s14+$0x4F10] =	vst.add.f32.msk $0xffff, v2  }
0x2c9: {  	[tilespmem:s14+$0x4F20] =	vst.add.f32.msk $0xffff, v3  }
0x2ca: {  	[tilespmem:s14+$0x4F30] =	vst.add.f32.msk $0xffff, v4  }
0x2cb: {  	[tilespmem:s14+$0x4F40] =	vst.add.f32.msk $0xffff, v5  }
0x2cc: {  	[tilespmem:s14+$0x4F50] =	vst.add.f32.msk $0xffff, v6  }
0x2cd: {  	[tilespmem:s14+$0x4F60] =	vst.add.f32.msk $0xffff, v7  }
0x2ce: {  	[tilespmem:s14+$0x4F70] =	vst.add.f32.msk $0xffff, v8  }
0x2cf: {  	[tilespmem:s14+$0x4F80] =	vst.add.f32.msk $0xffff, v9  }
.Ltmp9:
0x2d0: {  	[tilespmem:s14+$0x4F90] =	vst.add.f32.msk $0xffff, v10;
	(pc) =	sbr.rel @p0 .LBB2_20-.Ltmp9, $4  }
0x2d1: {  	[tilespmem:s14+$0x4FA0] =	vst.add.f32.msk $0xffff, v11  }
0x2d2: {  	[tilespmem:s14+$0x4FB0] =	vst.add.f32.msk $0xffff, v12  }
0x2d3: {  	[tilespmem:s14+$0x4FC0] =	vst.add.f32.msk $0xffff, v13  }
0x2d4: {  	s16 =	sadd.s32 $0x400, s16;
	[tilespmem:s14+$0x4FD0] =	vst.add.f32.msk $0xffff, v14  }
0x2d5: {  	[tilespmem:s14+$0x4FE0] =	vst.add.f32.msk $0xffff, v0  }
0x2d6: {  	s14 =	rddreg [dreg:$0x9]  }
0x2d7: {  	[hbm4b:s14+s3] =	stream.linear.scatter [tilespmem:s21], [sflag:$0x5], $0x2800, $0x38;
	[tilespmem:$0x18F00] =	vst v63  }
0x2d8: {  	_ =	swait.ge [sflag:s29], $0x2800  }
0x2d9: {  	[sflag:s29] =	ssyncset.done $0x0  }
0x2da: {  	[sflag:s29] =	ssyncadd.s32 $0xFFFFD800  }
0x2db: {  	_ =	swait.ge [sflag:s0], $0x2800  }
0x2dc: {  	[sflag:s0] =	ssyncset.done $0x0  }
0x2dd: {  	[sflag:s0] =	ssyncadd.s32 $0xFFFFD800  }
0x2de: {  	_ =	swait.ge [sflag:s7], $0x2800  }
0x2df: {  	[sflag:s7] =	ssyncset.done $0x0  }
0x2e0: {  	[sflag:s7] =	ssyncadd.s32 $0xFFFFD800  }
0x2e1: {  	_ =	swait.ge [sflag:s12], $0x2800  }
0x2e2: {  	s13 =	sadd.s32 $0x1, s13;
	s18 =	rddreg [dreg:$0xa]  }
0x2e3: {  	p0 =	sne.s32 s13, s18  }
.Ltmp10:
0x2e4: {  	_ = 	snop;
	(pc) =	sbr.rel @p0 .LBB2_1-.Ltmp10, $3  }
0x2e5: {  	_ =	sdelay $0x1  }
0x2e6: {  	[sflag:s12] =	ssyncset.done $0x0  }
0x2e7: {  	[sflag:s12] =	ssyncadd.s32 $0xFFFFD800  }
0x2e8: {  	_ =	sfence.sel $0x180000  }
0x2e9: {  	[bflag:$0x0] =	sbarrier.arrive $0xFFFF  }
0x2ea: {  	_ =	strace $0x90000047  }
0x2eb: {  	s0 =	stileid.u32;
	[bflag:$0x2] =	sbarrier.arrive $0xFFFF  }
0x2ec: {  	p0 =	sne.s32 s0, $0x0;
	s0 =	rddreg [dreg:$0x2]  }
0x2ed: {  	s0 =	sadd.s32 @!p0 $0x100000, s0  }
0x2ee: {  	[sflag:s0] =	ssyncadd.tile.s32 @!p0 $0x1;
	_ =	shalt  }
.Lfunc_end2:
_tile_overlayer_lowered:
.L_overlay_start_2:
0x2ef: {  	(tag) =	ssettag $0x2  }
0x2f0: {  	s0 =	rddreg [dreg:$0x0];
	s2 =	stileid.u32  }
0x2f1: {  	s1 =	rddreg [dreg:$0x1];
	p0 =	sne.s32 s2, $0x0  }
0x2f2: {  	s3 =	rddreg [dreg:$0x2];
	[bflag:$0x3] =	sbarrier.arrive $0xFFFF;
	s2 =	simm.s32 @!p0 $0x1C09  }
0x2f3: {  	[timem:s3], [sflag:s2] =	dma.local @!p0 [hbm:s0], s1  }
0x2f4: {  	s0 =	simm.s32 @!p0 $0x9  }
0x2f5: {  	_ =	swait.ge @!p0 [sflag:s0], s1  }
0x2f6: {  	s1 =	ssub.s32 @!p0 $0x0, s1;
	[sflag:s0] =	ssyncset.done @!p0 $0x0  }
0x2f7: {  	[sflag:s0] =	ssyncadd.s32 @!p0 s1  }
0x2f8: {  	[bflag:$0x3] =	sbarrier.arrive $0xFFFF  }
0x2f9: {  	_ =	shalt  }

</sc_bundles>
